<compile_context>
chip_gen: v7x
topology: tpu7x:2x2x1
jax: 0.10.2.dev20260603
libtpu: 0.0.44.dev20260713+nightly
codegen_flags: <defaults>
</compile_context>

<pallas_src>
import functools

import jax
import jax.numpy as jnp
from jax.experimental import pallas as pl
from jax.experimental.pallas import tpu as pltpu
from jax.experimental.pallas import tpu_sc as plsc

_B = 1024
_C = 100000

_SC_LO = 0
_SC_HI = 98304
_SC_BLOCKS = (_SC_HI - _SC_LO) // 2048
_SC_CHUNKS = (_SC_HI - _SC_LO) // 512
_SC_OUT_W = _SC_BLOCKS * 128

_TC_ROWS = 32
_TAIL_BLOCK = _SC_HI // 2048
_TAIL_VALID = _C - _SC_HI

_WIN = 512
_CMB_ROWS = 128

_NEG = float("-inf")


def _sc_block_max(prediction, y32):
    mesh = plsc.VectorSubcoreMesh(core_axis_name="c", subcore_axis_name="s")

    @pl.kernel(
        out_type=jax.ShapeDtypeStruct((_B, _SC_OUT_W), jnp.float32),
        mesh=mesh,
    )
    def sc_kernel(p_hbm, y_hbm, b_hbm, o_hbm):
        def body(in_vmem, y_vmem, b_vmem, out_vmem):
            neg = jnp.full((16,), _NEG, jnp.float32)
            blk_base = b_vmem[0, pl.ds(0, 16)][0] * 2048
            lane16 = jax.lax.broadcasted_iota(jnp.int32, (16,), 0)

            @pl.loop(0, 8)
            def _(r):
                @pl.loop(0, 4)
                def _(j):
                    base = j * _WIN
                    acc = functools.reduce(
                        jnp.maximum,
                        [
                            in_vmem[r, pl.ds(base + 16 * s, 16)]
                            for s in range(_WIN // 16)
                        ],
                    )
                    out_vmem[r, pl.ds(j * 16, 16)] = acc

                out_vmem[r, pl.ds(64, 16)] = neg
                out_vmem[r, pl.ds(80, 16)] = neg
                out_vmem[r, pl.ds(96, 16)] = neg
                out_vmem[r, pl.ds(112, 16)] = neg

                y_loc = y_vmem[r, pl.ds(0, 16)][0] - blk_base

                @pl.when((y_loc >= 0) & (y_loc < 2048))
                def _():
                    a16 = (y_loc // 16) * 16
                    vy = in_vmem[r, pl.ds(a16, 16)]
                    out_vmem[r, pl.ds(64, 16)] = jnp.where(
                        lane16 == y_loc - a16, vy, neg
                    )
                    cbase = (y_loc // _WIN) * _WIN
                    l_in = y_loc - cbase
                    wm = functools.reduce(
                        jnp.maximum,
                        [
                            jnp.where(
                                lane16 == (l_in - 16 * s),
                                neg,
                                in_vmem[r, pl.ds(cbase + 16 * s, 16)],
                            )
                            for s in range(_WIN // 16)
                        ],
                    )
                    out_vmem[r, pl.ds(80, 16)] = wm

        pltpu.emit_pipeline(
            body,
            grid=(_B // 8, _SC_BLOCKS),
            in_specs=[
                pl.BlockSpec((8, 2048), index_map=lambda i, j: (i, j)),
                pl.BlockSpec((8, 16), index_map=lambda i, j: (i, 0)),
                pl.BlockSpec((1, 16), index_map=lambda i, j: (j, 0)),
            ],
            out_specs=[pl.BlockSpec((8, 128), index_map=lambda i, j: (i, j))],
            core_axis_name=("c", "s"),
            dimension_semantics=(pltpu.PARALLEL, pltpu.PARALLEL),
        )(p_hbm, y_hbm, b_hbm, o_hbm)

    y16 = jnp.broadcast_to(y32.reshape(_B, 1), (_B, 16))
    blk16 = jnp.broadcast_to(
        jnp.arange(_SC_BLOCKS, dtype=jnp.int32).reshape(_SC_BLOCKS, 1),
        (_SC_BLOCKS, 16),
    )
    return sc_kernel(prediction, y16, blk16)


def _tc_block(tail_ref, yv_ref, tcm_ref, cls_ref):
    yv = yv_ref[...]
    tail = tail_ref[...]
    col_t = jax.lax.broadcasted_iota(jnp.int32, (_TC_ROWS, 2048), 1)
    is_y = col_t == (yv - _SC_HI)
    bad_t = is_y | (col_t >= _TAIL_VALID)
    tcm_ref[...] = jnp.max(jnp.where(bad_t, _NEG, tail), axis=1, keepdims=True)
    cls_ref[...] = jnp.max(jnp.where(is_y, tail, _NEG), axis=1, keepdims=True)


def _combine_block(sc_ref, yv_ref, tcm_ref, clst_ref, out_ref):
    yv = yv_ref[...]
    sc = sc_ref[...]
    pos = jax.lax.broadcasted_iota(jnp.int32, (_CMB_ROWS, _SC_OUT_W), 1)
    t = pos % 128
    j_y = yv // _WIN
    chunk_of_pos = (pos // 128) * 4 + t // 16
    is_chunk = t < 64
    drop = is_chunk & (chunk_of_pos == j_y)
    sc_masked = jnp.max(
        jnp.where(drop | ~is_chunk, _NEG, sc), axis=1, keepdims=True
    )
    wm = jnp.max(jnp.where((t >= 80) & (t < 96), sc, _NEG), axis=1, keepdims=True)
    cls_sc = jnp.max(jnp.where((t >= 64) & (t < 80), sc, _NEG), axis=1, keepdims=True)
    target = jnp.maximum(jnp.maximum(sc_masked, tcm_ref[...]), wm)
    out_ref[...] = target - jnp.maximum(cls_sc, clst_ref[...])


def kernel(prediction, y):
    batch, num_classes = prediction.shape
    assert (batch, num_classes) == (_B, _C)
    y32 = y.astype(jnp.int32)
    y2 = y32.reshape(batch, 1)

    sc_out = _sc_block_max(prediction, y32)

    r = _TC_ROWS
    tcm, clst = pl.pallas_call(
        _tc_block,
        grid=(batch // r,),
        in_specs=[
            pl.BlockSpec((r, 2048), lambda i: (i, _TAIL_BLOCK)),
            pl.BlockSpec((r, 1), lambda i: (i, 0)),
        ],
        out_specs=[
            pl.BlockSpec((r, 1), lambda i: (i, 0)),
            pl.BlockSpec((r, 1), lambda i: (i, 0)),
        ],
        out_shape=[
            jax.ShapeDtypeStruct((batch, 1), jnp.float32),
            jax.ShapeDtypeStruct((batch, 1), jnp.float32),
        ],
    )(prediction, y2)

    rc = _CMB_ROWS
    out = pl.pallas_call(
        _combine_block,
        grid=(batch // rc,),
        in_specs=[
            pl.BlockSpec((rc, _SC_OUT_W), lambda i: (i, 0)),
            pl.BlockSpec((rc, 1), lambda i: (i, 0)),
            pl.BlockSpec((rc, 1), lambda i: (i, 0)),
            pl.BlockSpec((rc, 1), lambda i: (i, 0)),
        ],
        out_specs=pl.BlockSpec((rc, 1), lambda i: (i, 0)),
        out_shape=jax.ShapeDtypeStruct((batch, 1), jnp.float32),
    )(sc_out, y2, tcm, clst)
    return out.reshape(batch)

# --- scband reference (transcript-rebuilt; emitter-appended) ---
"""Pipeline reference for scband-cwloss-1821066133873 (READ-ONLY COPY).

The authoritative reference and input builder live on the scoring server;
editing this copy changes nothing except your own understanding.
"""

import jax, jax.numpy as jnp
import numpy as np


def setup_inputs(seed: int = 0) -> dict:
    key = jax.random.key(seed)
    k1, k2 = jax.random.split(key)
    prediction = jax.random.normal(k1, (1024, 100000), dtype=jnp.float32)
    y = jax.random.randint(k2, (1024,), 0, 100000, dtype=jnp.int64 if jax.config.read('jax_enable_x64') else jnp.int32)
    return {"prediction": prediction, "y": y}


def reference(prediction, y):
    # loss = max_{c != y}{f_c(x)} - f_y(x)
    # torch: prediction.sort(dim=1, descending=True)
    idx_sorted = jnp.argsort(-prediction, axis=1)
    prediction_sorted = jnp.take_along_axis(prediction, idx_sorted, axis=1)
    class_prediction = prediction[jnp.arange(prediction.shape[0]), y]
    target_prediction = jnp.where(idx_sorted[:, 0] == y, prediction_sorted[:, 1], prediction_sorted[:, 0])
    loss = target_prediction - class_prediction
    return loss

if __name__ == "__main__":
    import jax
    _d = setup_inputs()
    print(jax.jit(kernel)(*tuple(_d.values())))

</pallas_src>

<mosaic_0001>
#map = affine_map<(d0, d1) -> (0, 0)>
module attributes {stable_mosaic.version = 14 : i64} {
  func.func @sc_kernel(%arg0: i32, %arg1: i32, %arg2: memref<1024x100000xf32, #tpu.memory_space<hbm>>, %arg3: memref<1024x16xi32, #tpu.memory_space<hbm>>, %arg4: memref<48x16xi32, #tpu.memory_space<hbm>>, %arg5: memref<1024x6144xf32, #tpu.memory_space<hbm>>) attributes {dimension_semantics = [#tpu.dimension_semantics<core_parallel>, #tpu.dimension_semantics<subcore_parallel>], iteration_bounds = array<i64: 2, 16>, scalar_prefetch = 0 : i64, scratch_operands = 0 : i64, tpu.core_type = #tpu.core_type<sc_vector_subcore>, window_params = [{transform_indices = #map}, {transform_indices = #map}, {transform_indices = #map}, {transform_indices = #map}]} {
    %mul3A = arith.constant 1 : i32
    %mul3A_0 = arith.muli %arg1, %mul3A : i32
    %add3A = arith.constant 0 : i32
    %add3A_1 = arith.addi %add3A, %mul3A_0 : i32
    %mul3A_2 = arith.constant 16 : i32
    %mul3A_3 = arith.muli %arg0, %mul3A_2 : i32
    %add3A_4 = arith.addi %add3A_1, %mul3A_3 : i32
    %mul3A_5 = arith.constant 4 : i32
    %mul3A_6 = arith.muli %add3A_4, %mul3A_5 : i32
    "tpu.region"() ({
      %run_scoped3A = memref.alloca() : memref<2x8x2048xf32, #tpu.memory_space<vmem>>
      %run_scoped3A_7 = tpu.sem_alloc : memref<2x!tpu.dma_semaphore, #tpu.memory_space<semaphore_mem>>
      %run_scoped3A_8 = memref.alloca() : memref<2x8x16xi32, #tpu.memory_space<vmem>>
      %run_scoped3A_9 = tpu.sem_alloc : memref<2x!tpu.dma_semaphore, #tpu.memory_space<semaphore_mem>>
      %run_scoped3A_10 = memref.alloca() : memref<2x1x16xi32, #tpu.memory_space<vmem>>
      %run_scoped3A_11 = tpu.sem_alloc : memref<2x!tpu.dma_semaphore, #tpu.memory_space<semaphore_mem>>
      %run_scoped3A_12 = memref.alloca() : memref<2x8x128xf32, #tpu.memory_space<vmem>>
      %run_scoped3A_13 = tpu.sem_alloc : memref<2x!tpu.dma_semaphore, #tpu.memory_space<semaphore_mem>>
      %add3A_14 = arith.constant 0 : i32
      %add3A_15 = arith.addi %add3A_14, %mul3A_6 : i32
      %select_n3A = arith.constant true
      %select_n3A_16 = arith.constant 0 : i32
      %select_n3A_17 = arith.constant -1 : i32
      %select_n3A_18 = arith.select %select_n3A, %select_n3A_17, %select_n3A_16 : i32
      %eq3A = arith.constant -1 : i32
      %eq3A_19 = arith.cmpi eq, %select_n3A_18, %eq3A : i32
      %select_n3A_20 = arith.constant 47 : i32
      %select_n3A_21 = arith.select %eq3A_19, %select_n3A_20, %select_n3A_18 : i32
      %select_n3A_22 = arith.constant 0 : i32
      %select_n3A_23 = arith.constant -1 : i32
      %select_n3A_24 = arith.select %eq3A_19, %select_n3A_23, %select_n3A_22 : i32
      %eq3A_25 = arith.constant -1 : i32
      %eq3A_26 = arith.cmpi eq, %select_n3A_24, %eq3A_25 : i32
      %select_n3A_27 = arith.constant 3 : i32
      %select_n3A_28 = arith.select %eq3A_26, %select_n3A_27, %select_n3A_24 : i32
      %add3A_29 = arith.addi %select_n3A_28, %mul3A_6 : i32
      %add3A_30 = arith.constant 0 : i32
      %add3A_31 = arith.addi %select_n3A_21, %add3A_30 : i32
      %select_n3A_32 = arith.constant true
      %select_n3A_33 = arith.constant 0 : i32
      %select_n3A_34 = arith.constant 1 : i32
      %select_n3A_35 = arith.select %select_n3A_32, %select_n3A_34, %select_n3A_33 : i32
      %eq3A_36 = arith.constant 48 : i32
      %eq3A_37 = arith.cmpi eq, %select_n3A_35, %eq3A_36 : i32
      %select_n3A_38 = arith.constant 0 : i32
      %select_n3A_39 = arith.select %eq3A_37, %select_n3A_38, %select_n3A_35 : i32
      %select_n3A_40 = arith.constant 0 : i32
      %select_n3A_41 = arith.constant 1 : i32
      %select_n3A_42 = arith.select %eq3A_37, %select_n3A_41, %select_n3A_40 : i32
      %eq3A_43 = arith.constant 4 : i32
      %eq3A_44 = arith.cmpi eq, %select_n3A_42, %eq3A_43 : i32
      %select_n3A_45 = arith.constant 0 : i32
      %select_n3A_46 = arith.select %eq3A_44, %select_n3A_45, %select_n3A_42 : i32
      %add3A_47 = arith.addi %select_n3A_46, %mul3A_6 : i32
      %add3A_48 = arith.constant 0 : i32
      %add3A_49 = arith.addi %select_n3A_39, %add3A_48 : i32
      %add3A_50 = arith.constant 1 : i32
      %add3A_51 = arith.addi %select_n3A_39, %add3A_50 : i32
      %select_n3A_52 = arith.constant true
      %select_n3A_53 = arith.select %select_n3A_52, %add3A_51, %select_n3A_39 : i32
      %eq3A_54 = arith.constant 48 : i32
      %eq3A_55 = arith.cmpi eq, %select_n3A_53, %eq3A_54 : i32
      %select_n3A_56 = arith.constant 0 : i32
      %select_n3A_57 = arith.select %eq3A_55, %select_n3A_56, %select_n3A_53 : i32
      %add3A_58 = arith.constant 1 : i32
      %add3A_59 = arith.addi %select_n3A_46, %add3A_58 : i32
      %select_n3A_60 = arith.select %eq3A_55, %add3A_59, %select_n3A_46 : i32
      %eq3A_61 = arith.constant 4 : i32
      %eq3A_62 = arith.cmpi eq, %select_n3A_60, %eq3A_61 : i32
      %select_n3A_63 = arith.constant 0 : i32
      %select_n3A_64 = arith.select %eq3A_62, %select_n3A_63, %select_n3A_60 : i32
      %add3A_65 = arith.addi %select_n3A_64, %mul3A_6 : i32
      %add3A_66 = arith.constant 0 : i32
      %add3A_67 = arith.addi %select_n3A_57, %add3A_66 : i32
      "tpu.trace_start"() <{level = 10 : i32, message = "ep_initialize_0"}> : () -> ()
      %rem3A = arith.constant 0 : i32
      %rem3A_68 = arith.constant 2 : i32
      %rem3A_69 = arith.remui %rem3A, %rem3A_68 : i32
      %mul3A_70 = arith.constant 8 : i32
      %mul3A_71 = arith.muli %mul3A_70, %add3A_15 : i32
      %jit3A = arith.constant false
      %jit3A_72 = arith.constant 1792 : i32
      %jit3A_73 = arith.constant 2048 : i32
      %select_n3A_74 = arith.select %jit3A, %jit3A_72, %jit3A_73 : i32
      %multiple_of3A = tpu.assume_multiple %select_n3A_74, 128 : i32
      %dma_start3A = arith.constant 0 : i32
      %dma_start3A_75 = arith.constant 0 : i32
      %dma_start3A_76 = tpu.memref_slice %run_scoped3A[%rem3A_69, %dma_start3A, %dma_start3A_75] <%multiple_of3A> : memref<2x8x2048xf32, #tpu.memory_space<vmem>> -> memref<1x8x?xf32, #tpu.memory_space<vmem>>
      %dma_start3A_77 = tpu.memref_squeeze %dma_start3A_76 : memref<1x8x?xf32, #tpu.memory_space<vmem>> -> memref<8x?xf32, #tpu.memory_space<vmem>>
      %dma_start3A_78 = arith.constant 0 : i32
      %dma_start3A_79 = tpu.memref_slice %arg2[%mul3A_71, %dma_start3A_78] <%multiple_of3A> : memref<1024x100000xf32, #tpu.memory_space<hbm>> -> memref<8x?xf32, #tpu.memory_space<hbm>>
      %dma_start3A_80 = tpu.memref_slice %run_scoped3A_7[%rem3A_69] : memref<2x!tpu.dma_semaphore, #tpu.memory_space<semaphore_mem>> -> memref<1x!tpu.dma_semaphore, #tpu.memory_space<semaphore_mem>>
      %dma_start3A_81 = tpu.memref_squeeze %dma_start3A_80 : memref<1x!tpu.dma_semaphore, #tpu.memory_space<semaphore_mem>> -> memref<!tpu.dma_semaphore, #tpu.memory_space<semaphore_mem>>
      %dma_start3A_82 = arith.constant 0 : i32
      %dma_start3A_83 = arith.constant 0 : i32
      %dma_start3A_84 = tpu.memref_slice %run_scoped3A[%rem3A_69, %dma_start3A_82, %dma_start3A_83] <%multiple_of3A> : memref<2x8x2048xf32, #tpu.memory_space<vmem>> -> memref<1x8x?xf32, #tpu.memory_space<vmem>>
      %dma_start3A_85 = tpu.memref_squeeze %dma_start3A_84 : memref<1x8x?xf32, #tpu.memory_space<vmem>> -> memref<8x?xf32, #tpu.memory_space<vmem>>
      %dma_start3A_86 = arith.constant 0 : i32
      %dma_start3A_87 = tpu.memref_slice %arg2[%mul3A_71, %dma_start3A_86] <%multiple_of3A> : memref<1024x100000xf32, #tpu.memory_space<hbm>> -> memref<8x?xf32, #tpu.memory_space<hbm>>
      tpu.enqueue_dma source(%dma_start3A_87 : memref<8x?xf32, #tpu.memory_space<hbm>>) target(%dma_start3A_85 : memref<8x?xf32, #tpu.memory_space<vmem>>) target_semaphore(%dma_start3A_81 : memref<!tpu.dma_semaphore, #tpu.memory_space<semaphore_mem>>)
      %add3A_88 = arith.constant 0 : i32
      %add3A_89 = arith.constant 1 : i32
      %add3A_90 = arith.addi %add3A_88, %add3A_89 : i32
      %select_n3A_91 = arith.constant true
      %select_n3A_92 = arith.constant 0 : i32
      %select_n3A_93 = arith.select %select_n3A_91, %add3A_90, %select_n3A_92 : i32
      %rem3A_94 = arith.constant 0 : i32
      %rem3A_95 = arith.constant 2 : i32
      %rem3A_96 = arith.remui %rem3A_94, %rem3A_95 : i32
      %mul3A_97 = arith.constant 8 : i32
      %mul3A_98 = arith.muli %mul3A_97, %add3A_15 : i32
      %dma_start3A_99 = arith.constant 0 : i32
      %dma_start3A_100 = arith.constant 0 : i32
      %dma_start3A_101 = tpu.memref_slice %run_scoped3A_8[%rem3A_96, %dma_start3A_99, %dma_start3A_100] : memref<2x8x16xi32, #tpu.memory_space<vmem>> -> memref<1x8x16xi32, #tpu.memory_space<vmem>>
      %dma_start3A_102 = tpu.memref_squeeze %dma_start3A_101 : memref<1x8x16xi32, #tpu.memory_space<vmem>> -> memref<8x16xi32, #tpu.memory_space<vmem>>
      %dma_start3A_103 = arith.constant 0 : i32
      %dma_start3A_104 = tpu.memref_slice %arg3[%mul3A_98, %dma_start3A_103] : memref<1024x16xi32, #tpu.memory_space<hbm>> -> memref<8x16xi32, #tpu.memory_space<hbm>>
      %dma_start3A_105 = tpu.memref_slice %run_scoped3A_9[%rem3A_96] : memref<2x!tpu.dma_semaphore, #tpu.memory_space<semaphore_mem>> -> memref<1x!tpu.dma_semaphore, #tpu.memory_space<semaphore_mem>>
      %dma_start3A_106 = tpu.memref_squeeze %dma_start3A_105 : memref<1x!tpu.dma_semaphore, #tpu.memory_space<semaphore_mem>> -> memref<!tpu.dma_semaphore, #tpu.memory_space<semaphore_mem>>
      %dma_start3A_107 = arith.constant 0 : i32
      %dma_start3A_108 = arith.constant 0 : i32
      %dma_start3A_109 = tpu.memref_slice %run_scoped3A_8[%rem3A_96, %dma_start3A_107, %dma_start3A_108] : memref<2x8x16xi32, #tpu.memory_space<vmem>> -> memref<1x8x16xi32, #tpu.memory_space<vmem>>
      %dma_start3A_110 = tpu.memref_squeeze %dma_start3A_109 : memref<1x8x16xi32, #tpu.memory_space<vmem>> -> memref<8x16xi32, #tpu.memory_space<vmem>>
      %dma_start3A_111 = arith.constant 0 : i32
      %dma_start3A_112 = tpu.memref_slice %arg3[%mul3A_98, %dma_start3A_111] : memref<1024x16xi32, #tpu.memory_space<hbm>> -> memref<8x16xi32, #tpu.memory_space<hbm>>
      tpu.enqueue_dma source(%dma_start3A_112 : memref<8x16xi32, #tpu.memory_space<hbm>>) target(%dma_start3A_110 : memref<8x16xi32, #tpu.memory_space<vmem>>) target_semaphore(%dma_start3A_106 : memref<!tpu.dma_semaphore, #tpu.memory_space<semaphore_mem>>)
      %add3A_113 = arith.constant 0 : i32
      %add3A_114 = arith.constant 1 : i32
      %add3A_115 = arith.addi %add3A_113, %add3A_114 : i32
      %select_n3A_116 = arith.constant true
      %select_n3A_117 = arith.constant 0 : i32
      %select_n3A_118 = arith.select %select_n3A_116, %add3A_115, %select_n3A_117 : i32
      %rem3A_119 = arith.constant 0 : i32
      %rem3A_120 = arith.constant 2 : i32
      %rem3A_121 = arith.remui %rem3A_119, %rem3A_120 : i32
      %dma_start3A_122 = arith.constant 0 : i32
      %dma_start3A_123 = arith.constant 0 : i32
      %dma_start3A_124 = tpu.memref_slice %run_scoped3A_10[%rem3A_121, %dma_start3A_122, %dma_start3A_123] : memref<2x1x16xi32, #tpu.memory_space<vmem>> -> memref<1x1x16xi32, #tpu.memory_space<vmem>>
      %dma_start3A_125 = tpu.memref_squeeze %dma_start3A_124 : memref<1x1x16xi32, #tpu.memory_space<vmem>> -> memref<1x16xi32, #tpu.memory_space<vmem>>
      %dma_start3A_126 = arith.constant 0 : i32
      %dma_start3A_127 = arith.constant 0 : i32
      %dma_start3A_128 = tpu.memref_slice %arg4[%dma_start3A_126, %dma_start3A_127] : memref<48x16xi32, #tpu.memory_space<hbm>> -> memref<1x16xi32, #tpu.memory_space<hbm>>
      %dma_start3A_129 = tpu.memref_slice %run_scoped3A_11[%rem3A_121] : memref<2x!tpu.dma_semaphore, #tpu.memory_space<semaphore_mem>> -> memref<1x!tpu.dma_semaphore, #tpu.memory_space<semaphore_mem>>
      %dma_start3A_130 = tpu.memref_squeeze %dma_start3A_129 : memref<1x!tpu.dma_semaphore, #tpu.memory_space<semaphore_mem>> -> memref<!tpu.dma_semaphore, #tpu.memory_space<semaphore_mem>>
      %dma_start3A_131 = arith.constant 0 : i32
      %dma_start3A_132 = arith.constant 0 : i32
      %dma_start3A_133 = tpu.memref_slice %run_scoped3A_10[%rem3A_121, %dma_start3A_131, %dma_start3A_132] : memref<2x1x16xi32, #tpu.memory_space<vmem>> -> memref<1x1x16xi32, #tpu.memory_space<vmem>>
      %dma_start3A_134 = tpu.memref_squeeze %dma_start3A_133 : memref<1x1x16xi32, #tpu.memory_space<vmem>> -> memref<1x16xi32, #tpu.memory_space<vmem>>
      %dma_start3A_135 = arith.constant 0 : i32
      %dma_start3A_136 = arith.constant 0 : i32
      %dma_start3A_137 = tpu.memref_slice %arg4[%dma_start3A_135, %dma_start3A_136] : memref<48x16xi32, #tpu.memory_space<hbm>> -> memref<1x16xi32, #tpu.memory_space<hbm>>
      tpu.enqueue_dma source(%dma_start3A_137 : memref<1x16xi32, #tpu.memory_space<hbm>>) target(%dma_start3A_134 : memref<1x16xi32, #tpu.memory_space<vmem>>) target_semaphore(%dma_start3A_130 : memref<!tpu.dma_semaphore, #tpu.memory_space<semaphore_mem>>)
      %add3A_138 = arith.constant 0 : i32
      %add3A_139 = arith.constant 1 : i32
      %add3A_140 = arith.addi %add3A_138, %add3A_139 : i32
      %select_n3A_141 = arith.constant true
      %select_n3A_142 = arith.constant 0 : i32
      %select_n3A_143 = arith.select %select_n3A_141, %add3A_140, %select_n3A_142 : i32
      "tpu.trace_stop"() : () -> ()
      %scan3A = arith.constant 0 : i32
      %scan3A_144 = arith.constant 0 : i32
      %scan3A_145 = arith.constant 0 : i32
      %scan3A_146 = arith.constant 0 : i32
      %scan3A_147 = arith.constant 0 : i32
      %scan3A_148 = arith.constant 0 : i32
      %scan3A_149 = arith.constant 0 : i32
      %scan3A_150 = arith.constant 0 : i32
      %scan3A_151 = arith.constant 192 : i32
      %scan3A_152 = arith.addi %scan3A_150, %scan3A_151 : i32
      %scan3A_153 = arith.constant 1 : i32
      %scan3A_154:10 = scf.for %scan3A_244 = %scan3A_150 to %scan3A_152 step %scan3A_153 iter_args(%scan3A_245 = %select_n3A_93, %scan3A_246 = %scan3A, %scan3A_247 = %select_n3A_118, %scan3A_248 = %scan3A_144, %scan3A_249 = %select_n3A_143, %scan3A_250 = %scan3A_145, %scan3A_251 = %scan3A_146, %scan3A_252 = %scan3A_147, %scan3A_253 = %scan3A_148, %scan3A_254 = %scan3A_149) -> (i32, i32, i32, i32, i32, i32, i32, i32, i32, i32)  : i32 {
        %eq3A_255 = arith.constant 0 : i32
        %eq3A_256 = arith.cmpi eq, %scan3A_244, %eq3A_255 : i32
        %eq3A_257 = arith.constant 191 : i32
        %eq3A_258 = arith.cmpi eq, %scan3A_244, %eq3A_257 : i32
        %add3A_259 = arith.addi %scan3A_253, %mul3A_6 : i32
        %add3A_260 = arith.constant 0 : i32
        %add3A_261 = arith.addi %scan3A_254, %add3A_260 : i32
        %sub3A_262 = arith.constant 1 : i32
        %sub3A_263 = arith.subi %scan3A_254, %sub3A_262 : i32
        %select_n3A_264 = arith.constant true
        %select_n3A_265 = arith.select %select_n3A_264, %sub3A_263, %scan3A_254 : i32
        %eq3A_266 = arith.constant -1 : i32
        %eq3A_267 = arith.cmpi eq, %select_n3A_265, %eq3A_266 : i32
        %select_n3A_268 = arith.constant 47 : i32
        %select_n3A_269 = arith.select %eq3A_267, %select_n3A_268, %select_n3A_265 : i32
        %sub3A_270 = arith.constant 1 : i32
        %sub3A_271 = arith.subi %scan3A_253, %sub3A_270 : i32
        %select_n3A_272 = arith.select %eq3A_267, %sub3A_271, %scan3A_253 : i32
        %eq3A_273 = arith.constant -1 : i32
        %eq3A_274 = arith.cmpi eq, %select_n3A_272, %eq3A_273 : i32
        %select_n3A_275 = arith.constant 3 : i32
        %select_n3A_276 = arith.select %eq3A_274, %select_n3A_275, %select_n3A_272 : i32
        %add3A_277 = arith.addi %select_n3A_276, %mul3A_6 : i32
        %add3A_278 = arith.constant 0 : i32
        %add3A_279 = arith.addi %select_n3A_269, %add3A_278 : i32
        %add3A_280 = arith.constant 1 : i32
        %add3A_281 = arith.addi %scan3A_254, %add3A_280 : i32
        %select_n3A_282 = arith.constant true
        %select_n3A_283 = arith.select %select_n3A_282, %add3A_281, %scan3A_254 : i32
        %eq3A_284 = arith.constant 48 : i32
        %eq3A_285 = arith.cmpi eq, %select_n3A_283, %eq3A_284 : i32
        %select_n3A_286 = arith.constant 0 : i32
        %select_n3A_287 = arith.select %eq3A_285, %select_n3A_286, %select_n3A_283 : i32
        %add3A_288 = arith.constant 1 : i32
        %add3A_289 = arith.addi %scan3A_253, %add3A_288 : i32
        %select_n3A_290 = arith.select %eq3A_285, %add3A_289, %scan3A_253 : i32
        %eq3A_291 = arith.constant 4 : i32
        %eq3A_292 = arith.cmpi eq, %select_n3A_290, %eq3A_291 : i32
        %select_n3A_293 = arith.constant 0 : i32
        %select_n3A_294 = arith.select %eq3A_292, %select_n3A_293, %select_n3A_290 : i32
        %add3A_295 = arith.addi %select_n3A_294, %mul3A_6 : i32
        %add3A_296 = arith.constant 0 : i32
        %add3A_297 = arith.addi %select_n3A_287, %add3A_296 : i32
        %add3A_298 = arith.constant 1 : i32
        %add3A_299 = arith.addi %select_n3A_287, %add3A_298 : i32
        %select_n3A_300 = arith.constant true
        %select_n3A_301 = arith.select %select_n3A_300, %add3A_299, %select_n3A_287 : i32
        %eq3A_302 = arith.constant 48 : i32
        %eq3A_303 = arith.cmpi eq, %select_n3A_301, %eq3A_302 : i32
        %select_n3A_304 = arith.constant 0 : i32
        %select_n3A_305 = arith.select %eq3A_303, %select_n3A_304, %select_n3A_301 : i32
        %add3A_306 = arith.constant 1 : i32
        %add3A_307 = arith.addi %select_n3A_294, %add3A_306 : i32
        %select_n3A_308 = arith.select %eq3A_303, %add3A_307, %select_n3A_294 : i32
        %eq3A_309 = arith.constant 4 : i32
        %eq3A_310 = arith.cmpi eq, %select_n3A_308, %eq3A_309 : i32
        %select_n3A_311 = arith.constant 0 : i32
        %select_n3A_312 = arith.select %eq3A_310, %select_n3A_311, %select_n3A_308 : i32
        %add3A_313 = arith.addi %select_n3A_312, %mul3A_6 : i32
        %add3A_314 = arith.constant 0 : i32
        %add3A_315 = arith.addi %select_n3A_305, %add3A_314 : i32
        %ne3A = arith.cmpi ne, %add3A_259, %add3A_295 : i32
        %ne3A_316 = arith.cmpi ne, %add3A_261, %add3A_297 : i32
        %or3A = arith.constant false
        %or3A_317 = arith.ori %or3A, %ne3A : i1
        %or3A_318 = arith.ori %or3A_317, %ne3A_316 : i1
        %ge3A = arith.constant 191 : i32
        %ge3A_319 = arith.cmpi sge, %scan3A_244, %ge3A : i32
        %not3A = arith.constant true
        %not3A_320 = arith.xori %ge3A_319, %not3A : i1
        %and3A = arith.andi %or3A_318, %not3A_320 : i1
        %convert_element_type3A = arith.extui %and3A : i1 to i32
        %cond3A = arith.constant 0 : i32
        %cond3A_321 = arith.cmpi ne, %convert_element_type3A, %cond3A : i32
        scf.if %cond3A_321 {
          "tpu.trace_start"() <{level = 10 : i32, message = "ep_copy_in"}> : () -> ()
          %rem3A_577 = arith.constant 2 : i32
          %rem3A_578 = arith.remui %scan3A_245, %rem3A_577 : i32
          %mul3A_579 = arith.constant 8 : i32
          %mul3A_580 = arith.muli %mul3A_579, %add3A_295 : i32
          %mul3A_581 = arith.constant 2048 : i32
          %mul3A_582 = arith.muli %mul3A_581, %add3A_297 : i32
          %eq3A_583 = arith.constant 48 : i32
          %eq3A_584 = arith.cmpi eq, %add3A_297, %eq3A_583 : i32
          %jit3A_585 = arith.constant 1792 : i32
          %jit3A_586 = arith.constant 2048 : i32
          %select_n3A_587 = arith.select %eq3A_584, %jit3A_585, %jit3A_586 : i32
          %multiple_of3A_588 = tpu.assume_multiple %select_n3A_587, 128 : i32
          %mul3A_589 = arith.constant 2048 : i32
          %mul3A_590 = arith.muli %add3A_297, %mul3A_589 : i32
          %dma_start3A_591 = arith.constant 0 : i32
          %dma_start3A_592 = arith.constant 0 : i32
          %dma_start3A_593 = tpu.memref_slice %run_scoped3A[%rem3A_578, %dma_start3A_591, %dma_start3A_592] <%multiple_of3A_588> : memref<2x8x2048xf32, #tpu.memory_space<vmem>> -> memref<1x8x?xf32, #tpu.memory_space<vmem>>
          %dma_start3A_594 = tpu.memref_squeeze %dma_start3A_593 : memref<1x8x?xf32, #tpu.memory_space<vmem>> -> memref<8x?xf32, #tpu.memory_space<vmem>>
          %dma_start3A_595 = tpu.memref_slice %arg2[%mul3A_580, %mul3A_590] <%multiple_of3A_588> : memref<1024x100000xf32, #tpu.memory_space<hbm>> -> memref<8x?xf32, #tpu.memory_space<hbm>>
          %dma_start3A_596 = tpu.memref_slice %run_scoped3A_7[%rem3A_578] : memref<2x!tpu.dma_semaphore, #tpu.memory_space<semaphore_mem>> -> memref<1x!tpu.dma_semaphore, #tpu.memory_space<semaphore_mem>>
          %dma_start3A_597 = tpu.memref_squeeze %dma_start3A_596 : memref<1x!tpu.dma_semaphore, #tpu.memory_space<semaphore_mem>> -> memref<!tpu.dma_semaphore, #tpu.memory_space<semaphore_mem>>
          %dma_start3A_598 = arith.constant 0 : i32
          %dma_start3A_599 = arith.constant 0 : i32
          %dma_start3A_600 = tpu.memref_slice %run_scoped3A[%rem3A_578, %dma_start3A_598, %dma_start3A_599] <%multiple_of3A_588> : memref<2x8x2048xf32, #tpu.memory_space<vmem>> -> memref<1x8x?xf32, #tpu.memory_space<vmem>>
          %dma_start3A_601 = tpu.memref_squeeze %dma_start3A_600 : memref<1x8x?xf32, #tpu.memory_space<vmem>> -> memref<8x?xf32, #tpu.memory_space<vmem>>
          %dma_start3A_602 = tpu.memref_slice %arg2[%mul3A_580, %mul3A_590] <%multiple_of3A_588> : memref<1024x100000xf32, #tpu.memory_space<hbm>> -> memref<8x?xf32, #tpu.memory_space<hbm>>
          tpu.enqueue_dma source(%dma_start3A_602 : memref<8x?xf32, #tpu.memory_space<hbm>>) target(%dma_start3A_601 : memref<8x?xf32, #tpu.memory_space<vmem>>) target_semaphore(%dma_start3A_597 : memref<!tpu.dma_semaphore, #tpu.memory_space<semaphore_mem>>)
          "tpu.trace_stop"() : () -> ()
        } else {
        }
        %and3A_322 = arith.constant true
        %and3A_323 = arith.andi %and3A, %and3A_322 : i1
        %add3A_324 = arith.constant 1 : i32
        %add3A_325 = arith.addi %scan3A_245, %add3A_324 : i32
        %select_n3A_326 = arith.select %and3A_323, %add3A_325, %scan3A_245 : i32
        %ne3A_327 = arith.cmpi ne, %add3A_259, %add3A_295 : i32
        %or3A_328 = arith.constant false
        %or3A_329 = arith.ori %or3A_328, %ne3A_327 : i1
        %or3A_330 = arith.constant false
        %or3A_331 = arith.ori %or3A_329, %or3A_330 : i1
        %ge3A_332 = arith.constant 191 : i32
        %ge3A_333 = arith.cmpi sge, %scan3A_244, %ge3A_332 : i32
        %not3A_334 = arith.constant true
        %not3A_335 = arith.xori %ge3A_333, %not3A_334 : i1
        %and3A_336 = arith.andi %or3A_331, %not3A_335 : i1
        %convert_element_type3A_337 = arith.extui %and3A_336 : i1 to i32
        %cond3A_338 = arith.constant 0 : i32
        %cond3A_339 = arith.cmpi ne, %convert_element_type3A_337, %cond3A_338 : i32
        scf.if %cond3A_339 {
          "tpu.trace_start"() <{level = 10 : i32, message = "ep_copy_in"}> : () -> ()
          %rem3A_577 = arith.constant 2 : i32
          %rem3A_578 = arith.remui %scan3A_247, %rem3A_577 : i32
          %mul3A_579 = arith.constant 8 : i32
          %mul3A_580 = arith.muli %mul3A_579, %add3A_295 : i32
          %dma_start3A_581 = arith.constant 0 : i32
          %dma_start3A_582 = arith.constant 0 : i32
          %dma_start3A_583 = tpu.memref_slice %run_scoped3A_8[%rem3A_578, %dma_start3A_581, %dma_start3A_582] : memref<2x8x16xi32, #tpu.memory_space<vmem>> -> memref<1x8x16xi32, #tpu.memory_space<vmem>>
          %dma_start3A_584 = tpu.memref_squeeze %dma_start3A_583 : memref<1x8x16xi32, #tpu.memory_space<vmem>> -> memref<8x16xi32, #tpu.memory_space<vmem>>
          %dma_start3A_585 = arith.constant 0 : i32
          %dma_start3A_586 = tpu.memref_slice %arg3[%mul3A_580, %dma_start3A_585] : memref<1024x16xi32, #tpu.memory_space<hbm>> -> memref<8x16xi32, #tpu.memory_space<hbm>>
          %dma_start3A_587 = tpu.memref_slice %run_scoped3A_9[%rem3A_578] : memref<2x!tpu.dma_semaphore, #tpu.memory_space<semaphore_mem>> -> memref<1x!tpu.dma_semaphore, #tpu.memory_space<semaphore_mem>>
          %dma_start3A_588 = tpu.memref_squeeze %dma_start3A_587 : memref<1x!tpu.dma_semaphore, #tpu.memory_space<semaphore_mem>> -> memref<!tpu.dma_semaphore, #tpu.memory_space<semaphore_mem>>
          %dma_start3A_589 = arith.constant 0 : i32
          %dma_start3A_590 = arith.constant 0 : i32
          %dma_start3A_591 = tpu.memref_slice %run_scoped3A_8[%rem3A_578, %dma_start3A_589, %dma_start3A_590] : memref<2x8x16xi32, #tpu.memory_space<vmem>> -> memref<1x8x16xi32, #tpu.memory_space<vmem>>
          %dma_start3A_592 = tpu.memref_squeeze %dma_start3A_591 : memref<1x8x16xi32, #tpu.memory_space<vmem>> -> memref<8x16xi32, #tpu.memory_space<vmem>>
          %dma_start3A_593 = arith.constant 0 : i32
          %dma_start3A_594 = tpu.memref_slice %arg3[%mul3A_580, %dma_start3A_593] : memref<1024x16xi32, #tpu.memory_space<hbm>> -> memref<8x16xi32, #tpu.memory_space<hbm>>
          tpu.enqueue_dma source(%dma_start3A_594 : memref<8x16xi32, #tpu.memory_space<hbm>>) target(%dma_start3A_592 : memref<8x16xi32, #tpu.memory_space<vmem>>) target_semaphore(%dma_start3A_588 : memref<!tpu.dma_semaphore, #tpu.memory_space<semaphore_mem>>)
          "tpu.trace_stop"() : () -> ()
        } else {
        }
        %and3A_340 = arith.constant true
        %and3A_341 = arith.andi %and3A_336, %and3A_340 : i1
        %add3A_342 = arith.constant 1 : i32
        %add3A_343 = arith.addi %scan3A_247, %add3A_342 : i32
        %select_n3A_344 = arith.select %and3A_341, %add3A_343, %scan3A_247 : i32
        %ne3A_345 = arith.cmpi ne, %add3A_261, %add3A_297 : i32
        %or3A_346 = arith.constant false
        %or3A_347 = arith.ori %or3A_346, %ne3A_345 : i1
        %or3A_348 = arith.constant false
        %or3A_349 = arith.ori %or3A_347, %or3A_348 : i1
        %ge3A_350 = arith.constant 191 : i32
        %ge3A_351 = arith.cmpi sge, %scan3A_244, %ge3A_350 : i32
        %not3A_352 = arith.constant true
        %not3A_353 = arith.xori %ge3A_351, %not3A_352 : i1
        %and3A_354 = arith.andi %or3A_349, %not3A_353 : i1
        %convert_element_type3A_355 = arith.extui %and3A_354 : i1 to i32
        %cond3A_356 = arith.constant 0 : i32
        %cond3A_357 = arith.cmpi ne, %convert_element_type3A_355, %cond3A_356 : i32
        scf.if %cond3A_357 {
          "tpu.trace_start"() <{level = 10 : i32, message = "ep_copy_in"}> : () -> ()
          %rem3A_577 = arith.constant 2 : i32
          %rem3A_578 = arith.remui %scan3A_249, %rem3A_577 : i32
          %mul3A_579 = arith.constant 1 : i32
          %mul3A_580 = arith.muli %mul3A_579, %add3A_297 : i32
          %dma_start3A_581 = arith.constant 0 : i32
          %dma_start3A_582 = arith.constant 0 : i32
          %dma_start3A_583 = tpu.memref_slice %run_scoped3A_10[%rem3A_578, %dma_start3A_581, %dma_start3A_582] : memref<2x1x16xi32, #tpu.memory_space<vmem>> -> memref<1x1x16xi32, #tpu.memory_space<vmem>>
          %dma_start3A_584 = tpu.memref_squeeze %dma_start3A_583 : memref<1x1x16xi32, #tpu.memory_space<vmem>> -> memref<1x16xi32, #tpu.memory_space<vmem>>
          %dma_start3A_585 = arith.constant 0 : i32
          %dma_start3A_586 = tpu.memref_slice %arg4[%mul3A_580, %dma_start3A_585] : memref<48x16xi32, #tpu.memory_space<hbm>> -> memref<1x16xi32, #tpu.memory_space<hbm>>
          %dma_start3A_587 = tpu.memref_slice %run_scoped3A_11[%rem3A_578] : memref<2x!tpu.dma_semaphore, #tpu.memory_space<semaphore_mem>> -> memref<1x!tpu.dma_semaphore, #tpu.memory_space<semaphore_mem>>
          %dma_start3A_588 = tpu.memref_squeeze %dma_start3A_587 : memref<1x!tpu.dma_semaphore, #tpu.memory_space<semaphore_mem>> -> memref<!tpu.dma_semaphore, #tpu.memory_space<semaphore_mem>>
          %dma_start3A_589 = arith.constant 0 : i32
          %dma_start3A_590 = arith.constant 0 : i32
          %dma_start3A_591 = tpu.memref_slice %run_scoped3A_10[%rem3A_578, %dma_start3A_589, %dma_start3A_590] : memref<2x1x16xi32, #tpu.memory_space<vmem>> -> memref<1x1x16xi32, #tpu.memory_space<vmem>>
          %dma_start3A_592 = tpu.memref_squeeze %dma_start3A_591 : memref<1x1x16xi32, #tpu.memory_space<vmem>> -> memref<1x16xi32, #tpu.memory_space<vmem>>
          %dma_start3A_593 = arith.constant 0 : i32
          %dma_start3A_594 = tpu.memref_slice %arg4[%mul3A_580, %dma_start3A_593] : memref<48x16xi32, #tpu.memory_space<hbm>> -> memref<1x16xi32, #tpu.memory_space<hbm>>
          tpu.enqueue_dma source(%dma_start3A_594 : memref<1x16xi32, #tpu.memory_space<hbm>>) target(%dma_start3A_592 : memref<1x16xi32, #tpu.memory_space<vmem>>) target_semaphore(%dma_start3A_588 : memref<!tpu.dma_semaphore, #tpu.memory_space<semaphore_mem>>)
          "tpu.trace_stop"() : () -> ()
        } else {
        }
        %and3A_358 = arith.constant true
        %and3A_359 = arith.andi %and3A_354, %and3A_358 : i1
        %add3A_360 = arith.constant 1 : i32
        %add3A_361 = arith.addi %scan3A_249, %add3A_360 : i32
        %select_n3A_362 = arith.select %and3A_359, %add3A_361, %scan3A_249 : i32
        %ne3A_363 = arith.cmpi ne, %add3A_259, %add3A_295 : i32
        %ne3A_364 = arith.cmpi ne, %add3A_261, %add3A_297 : i32
        %or3A_365 = arith.constant false
        %or3A_366 = arith.ori %or3A_365, %ne3A_363 : i1
        %or3A_367 = arith.ori %or3A_366, %ne3A_364 : i1
        %ge3A_368 = arith.constant 191 : i32
        %ge3A_369 = arith.cmpi sge, %scan3A_244, %ge3A_368 : i32
        %not3A_370 = arith.constant true
        %not3A_371 = arith.xori %ge3A_369, %not3A_370 : i1
        %and3A_372 = arith.andi %or3A_367, %not3A_371 : i1
        %ne3A_373 = arith.cmpi ne, %add3A_259, %add3A_277 : i32
        %ne3A_374 = arith.cmpi ne, %add3A_261, %add3A_279 : i32
        %or3A_375 = arith.constant false
        %or3A_376 = arith.ori %or3A_375, %ne3A_373 : i1
        %or3A_377 = arith.ori %or3A_376, %ne3A_374 : i1
        %or3A_378 = arith.ori %or3A_377, %eq3A_256 : i1
        %convert_element_type3A_379 = arith.extui %or3A_378 : i1 to i32
        %cond3A_380 = arith.constant 0 : i32
        %cond3A_381 = arith.cmpi ne, %convert_element_type3A_379, %cond3A_380 : i32
        scf.if %cond3A_381 {
          "tpu.trace_start"() <{level = 10 : i32, message = "ep_wait_in"}> : () -> ()
          %mul3A_577 = arith.constant 8 : i32
          %mul3A_578 = arith.muli %mul3A_577, %add3A_259 : i32
          %mul3A_579 = arith.constant 2048 : i32
          %mul3A_580 = arith.muli %mul3A_579, %add3A_261 : i32
          %eq3A_581 = arith.constant 48 : i32
          %eq3A_582 = arith.cmpi eq, %add3A_261, %eq3A_581 : i32
          %jit3A_583 = arith.constant 1792 : i32
          %jit3A_584 = arith.constant 2048 : i32
          %select_n3A_585 = arith.select %eq3A_582, %jit3A_583, %jit3A_584 : i32
          %multiple_of3A_586 = tpu.assume_multiple %select_n3A_585, 128 : i32
          %mul3A_587 = arith.constant 2048 : i32
          %mul3A_588 = arith.muli %add3A_261, %mul3A_587 : i32
          %rem3A_589 = arith.constant 2 : i32
          %rem3A_590 = arith.remui %scan3A_246, %rem3A_589 : i32
          %dma_wait3A_591 = arith.constant 0 : i32
          %dma_wait3A_592 = arith.constant 0 : i32
          %dma_wait3A_593 = tpu.memref_slice %run_scoped3A[%rem3A_590, %dma_wait3A_591, %dma_wait3A_592] <%multiple_of3A_586> : memref<2x8x2048xf32, #tpu.memory_space<vmem>> -> memref<1x8x?xf32, #tpu.memory_space<vmem>>
          %dma_wait3A_594 = tpu.memref_squeeze %dma_wait3A_593 : memref<1x8x?xf32, #tpu.memory_space<vmem>> -> memref<8x?xf32, #tpu.memory_space<vmem>>
          %dma_wait3A_595 = tpu.memref_slice %arg2[%mul3A_578, %mul3A_588] <%multiple_of3A_586> : memref<1024x100000xf32, #tpu.memory_space<hbm>> -> memref<8x?xf32, #tpu.memory_space<hbm>>
          %dma_wait3A_596 = tpu.memref_slice %run_scoped3A_7[%rem3A_590] : memref<2x!tpu.dma_semaphore, #tpu.memory_space<semaphore_mem>> -> memref<1x!tpu.dma_semaphore, #tpu.memory_space<semaphore_mem>>
          %dma_wait3A_597 = tpu.memref_squeeze %dma_wait3A_596 : memref<1x!tpu.dma_semaphore, #tpu.memory_space<semaphore_mem>> -> memref<!tpu.dma_semaphore, #tpu.memory_space<semaphore_mem>>
          %dma_wait3A_598 = arith.constant 0 : i32
          %dma_wait3A_599 = arith.constant 0 : i32
          %dma_wait3A_600 = tpu.memref_slice %run_scoped3A[%rem3A_590, %dma_wait3A_598, %dma_wait3A_599] <%multiple_of3A_586> : memref<2x8x2048xf32, #tpu.memory_space<vmem>> -> memref<1x8x?xf32, #tpu.memory_space<vmem>>
          %dma_wait3A_601 = tpu.memref_squeeze %dma_wait3A_600 : memref<1x8x?xf32, #tpu.memory_space<vmem>> -> memref<8x?xf32, #tpu.memory_space<vmem>>
          %dma_wait3A_602 = tpu.memref_slice %arg2[%mul3A_578, %mul3A_588] <%multiple_of3A_586> : memref<1024x100000xf32, #tpu.memory_space<hbm>> -> memref<8x?xf32, #tpu.memory_space<hbm>>
          tpu.wait_dma2 semaphore(%dma_wait3A_597 : memref<!tpu.dma_semaphore, #tpu.memory_space<semaphore_mem>>) src(%dma_wait3A_602 : memref<8x?xf32, #tpu.memory_space<hbm>>) dst(%dma_wait3A_601 : memref<8x?xf32, #tpu.memory_space<vmem>>)
          "tpu.trace_stop"() : () -> ()
        } else {
        }
        %ne3A_382 = arith.cmpi ne, %add3A_259, %add3A_277 : i32
        %or3A_383 = arith.constant false
        %or3A_384 = arith.ori %or3A_383, %ne3A_382 : i1
        %or3A_385 = arith.constant false
        %or3A_386 = arith.ori %or3A_384, %or3A_385 : i1
        %or3A_387 = arith.ori %or3A_386, %eq3A_256 : i1
        %convert_element_type3A_388 = arith.extui %or3A_387 : i1 to i32
        %cond3A_389 = arith.constant 0 : i32
        %cond3A_390 = arith.cmpi ne, %convert_element_type3A_388, %cond3A_389 : i32
        scf.if %cond3A_390 {
          "tpu.trace_start"() <{level = 10 : i32, message = "ep_wait_in"}> : () -> ()
          %mul3A_577 = arith.constant 8 : i32
          %mul3A_578 = arith.muli %mul3A_577, %add3A_259 : i32
          %rem3A_579 = arith.constant 2 : i32
          %rem3A_580 = arith.remui %scan3A_248, %rem3A_579 : i32
          %dma_wait3A_581 = arith.constant 0 : i32
          %dma_wait3A_582 = arith.constant 0 : i32
          %dma_wait3A_583 = tpu.memref_slice %run_scoped3A_8[%rem3A_580, %dma_wait3A_581, %dma_wait3A_582] : memref<2x8x16xi32, #tpu.memory_space<vmem>> -> memref<1x8x16xi32, #tpu.memory_space<vmem>>
          %dma_wait3A_584 = tpu.memref_squeeze %dma_wait3A_583 : memref<1x8x16xi32, #tpu.memory_space<vmem>> -> memref<8x16xi32, #tpu.memory_space<vmem>>
          %dma_wait3A_585 = arith.constant 0 : i32
          %dma_wait3A_586 = tpu.memref_slice %arg3[%mul3A_578, %dma_wait3A_585] : memref<1024x16xi32, #tpu.memory_space<hbm>> -> memref<8x16xi32, #tpu.memory_space<hbm>>
          %dma_wait3A_587 = tpu.memref_slice %run_scoped3A_9[%rem3A_580] : memref<2x!tpu.dma_semaphore, #tpu.memory_space<semaphore_mem>> -> memref<1x!tpu.dma_semaphore, #tpu.memory_space<semaphore_mem>>
          %dma_wait3A_588 = tpu.memref_squeeze %dma_wait3A_587 : memref<1x!tpu.dma_semaphore, #tpu.memory_space<semaphore_mem>> -> memref<!tpu.dma_semaphore, #tpu.memory_space<semaphore_mem>>
          %dma_wait3A_589 = arith.constant 0 : i32
          %dma_wait3A_590 = arith.constant 0 : i32
          %dma_wait3A_591 = tpu.memref_slice %run_scoped3A_8[%rem3A_580, %dma_wait3A_589, %dma_wait3A_590] : memref<2x8x16xi32, #tpu.memory_space<vmem>> -> memref<1x8x16xi32, #tpu.memory_space<vmem>>
          %dma_wait3A_592 = tpu.memref_squeeze %dma_wait3A_591 : memref<1x8x16xi32, #tpu.memory_space<vmem>> -> memref<8x16xi32, #tpu.memory_space<vmem>>
          %dma_wait3A_593 = arith.constant 0 : i32
          %dma_wait3A_594 = tpu.memref_slice %arg3[%mul3A_578, %dma_wait3A_593] : memref<1024x16xi32, #tpu.memory_space<hbm>> -> memref<8x16xi32, #tpu.memory_space<hbm>>
          tpu.wait_dma2 semaphore(%dma_wait3A_588 : memref<!tpu.dma_semaphore, #tpu.memory_space<semaphore_mem>>) src(%dma_wait3A_594 : memref<8x16xi32, #tpu.memory_space<hbm>>) dst(%dma_wait3A_592 : memref<8x16xi32, #tpu.memory_space<vmem>>)
          "tpu.trace_stop"() : () -> ()
        } else {
        }
        %ne3A_391 = arith.cmpi ne, %add3A_261, %add3A_279 : i32
        %or3A_392 = arith.constant false
        %or3A_393 = arith.ori %or3A_392, %ne3A_391 : i1
        %or3A_394 = arith.constant false
        %or3A_395 = arith.ori %or3A_393, %or3A_394 : i1
        %or3A_396 = arith.ori %or3A_395, %eq3A_256 : i1
        %convert_element_type3A_397 = arith.extui %or3A_396 : i1 to i32
        %cond3A_398 = arith.constant 0 : i32
        %cond3A_399 = arith.cmpi ne, %convert_element_type3A_397, %cond3A_398 : i32
        scf.if %cond3A_399 {
          "tpu.trace_start"() <{level = 10 : i32, message = "ep_wait_in"}> : () -> ()
          %mul3A_577 = arith.constant 1 : i32
          %mul3A_578 = arith.muli %mul3A_577, %add3A_261 : i32
          %rem3A_579 = arith.constant 2 : i32
          %rem3A_580 = arith.remui %scan3A_250, %rem3A_579 : i32
          %dma_wait3A_581 = arith.constant 0 : i32
          %dma_wait3A_582 = arith.constant 0 : i32
          %dma_wait3A_583 = tpu.memref_slice %run_scoped3A_10[%rem3A_580, %dma_wait3A_581, %dma_wait3A_582] : memref<2x1x16xi32, #tpu.memory_space<vmem>> -> memref<1x1x16xi32, #tpu.memory_space<vmem>>
          %dma_wait3A_584 = tpu.memref_squeeze %dma_wait3A_583 : memref<1x1x16xi32, #tpu.memory_space<vmem>> -> memref<1x16xi32, #tpu.memory_space<vmem>>
          %dma_wait3A_585 = arith.constant 0 : i32
          %dma_wait3A_586 = tpu.memref_slice %arg4[%mul3A_578, %dma_wait3A_585] : memref<48x16xi32, #tpu.memory_space<hbm>> -> memref<1x16xi32, #tpu.memory_space<hbm>>
          %dma_wait3A_587 = tpu.memref_slice %run_scoped3A_11[%rem3A_580] : memref<2x!tpu.dma_semaphore, #tpu.memory_space<semaphore_mem>> -> memref<1x!tpu.dma_semaphore, #tpu.memory_space<semaphore_mem>>
          %dma_wait3A_588 = tpu.memref_squeeze %dma_wait3A_587 : memref<1x!tpu.dma_semaphore, #tpu.memory_space<semaphore_mem>> -> memref<!tpu.dma_semaphore, #tpu.memory_space<semaphore_mem>>
          %dma_wait3A_589 = arith.constant 0 : i32
          %dma_wait3A_590 = arith.constant 0 : i32
          %dma_wait3A_591 = tpu.memref_slice %run_scoped3A_10[%rem3A_580, %dma_wait3A_589, %dma_wait3A_590] : memref<2x1x16xi32, #tpu.memory_space<vmem>> -> memref<1x1x16xi32, #tpu.memory_space<vmem>>
          %dma_wait3A_592 = tpu.memref_squeeze %dma_wait3A_591 : memref<1x1x16xi32, #tpu.memory_space<vmem>> -> memref<1x16xi32, #tpu.memory_space<vmem>>
          %dma_wait3A_593 = arith.constant 0 : i32
          %dma_wait3A_594 = tpu.memref_slice %arg4[%mul3A_578, %dma_wait3A_593] : memref<48x16xi32, #tpu.memory_space<hbm>> -> memref<1x16xi32, #tpu.memory_space<hbm>>
          tpu.wait_dma2 semaphore(%dma_wait3A_588 : memref<!tpu.dma_semaphore, #tpu.memory_space<semaphore_mem>>) src(%dma_wait3A_594 : memref<1x16xi32, #tpu.memory_space<hbm>>) dst(%dma_wait3A_592 : memref<1x16xi32, #tpu.memory_space<vmem>>)
          "tpu.trace_stop"() : () -> ()
        } else {
        }
        %ne3A_400 = arith.cmpi ne, %add3A_259, %add3A_277 : i32
        %ne3A_401 = arith.cmpi ne, %add3A_261, %add3A_279 : i32
        %or3A_402 = arith.constant false
        %or3A_403 = arith.ori %or3A_402, %ne3A_400 : i1
        %or3A_404 = arith.ori %or3A_403, %ne3A_401 : i1
        %or3A_405 = arith.ori %or3A_404, %eq3A_256 : i1
        %convert_element_type3A_406 = arith.extui %or3A_405 : i1 to i32
        %cond3A_407 = arith.constant 0 : i32
        %cond3A_408 = arith.cmpi ne, %convert_element_type3A_406, %cond3A_407 : i32
        scf.if %cond3A_408 {
        } else {
        }
        %rem3A_409 = arith.constant 2 : i32
        %rem3A_410 = arith.remui %scan3A_246, %rem3A_409 : i32
        %rem3A_411 = arith.constant 2 : i32
        %rem3A_412 = arith.remui %scan3A_248, %rem3A_411 : i32
        %rem3A_413 = arith.constant 2 : i32
        %rem3A_414 = arith.remui %scan3A_250, %rem3A_413 : i32
        %rem3A_415 = arith.constant 2 : i32
        %rem3A_416 = arith.remui %scan3A_251, %rem3A_415 : i32
        %broadcast_in_dim3A = arith.constant 0xFF800000 : f32
        "tpu.trace_start"() <{level = 10 : i32, message = "ep_run_kernel"}> : () -> ()
        %broadcast_in_dim3A_417 = vector.broadcast %broadcast_in_dim3A : f32 to vector<16xf32>
        %get3A = arith.constant 0 : i32
        %get3A_418 = arith.constant 0 : i32
        %get3A_419 = arith.constant 0 : i32
        %get3A_420 = tpu.memref_slice %run_scoped3A_10[%rem3A_414, %get3A_418, %get3A_419] : memref<2x1x16xi32, #tpu.memory_space<vmem>> -> memref<1x1x16xi32, #tpu.memory_space<vmem>>
        %get3A_421 = tpu.memref_squeeze %get3A_420 : memref<1x1x16xi32, #tpu.memory_space<vmem>> -> memref<1x16xi32, #tpu.memory_space<vmem>>
        %get3A_422 = arith.index_cast %get3A : i32 to index
        %get3A_423 = arith.constant 0 : index
        %get3A_424 = tpu.vector_load %get3A_421[%get3A_422, %get3A_423] {strides = array<i32>} : memref<1x16xi32, #tpu.memory_space<vmem>>, vector<1x16xi32>,
        %get3A_425 = vector.shape_cast %get3A_424 : vector<1x16xi32> to vector<16xi32>
        %slice3A = vector.extract_strided_slice %get3A_425 {offsets = [0], sizes = [1], strides = [1]} : vector<16xi32> to vector<1xi32>
        %squeeze3A = vector.extract %slice3A[0] : i32 from vector<1xi32>
        %mul3A_426 = arith.constant 2048 : i32
        %mul3A_427 = arith.muli %squeeze3A, %mul3A_426 : i32
        %iota3A = tpu.iota {dimensions = array<i32: 0>} : vector<16xi32>
        %scan3A_428 = arith.constant 0 : i32
        %scan3A_429 = arith.constant 8 : i32
        %scan3A_430 = arith.addi %scan3A_428, %scan3A_429 : i32
        %scan3A_431 = arith.constant 1 : i32
        scf.for %scan3A_577 = %scan3A_428 to %scan3A_430 step %scan3A_431  : i32 {
          %mul3A_578 = arith.constant 1 : i32
          %mul3A_579 = arith.muli %scan3A_577, %mul3A_578 : i32
          %add3A_580 = arith.constant 0 : i32
          %add3A_581 = arith.addi %add3A_580, %mul3A_579 : i32
          %scan3A_582 = arith.constant 0 : i32
          %scan3A_583 = arith.constant 4 : i32
          %scan3A_584 = arith.addi %scan3A_582, %scan3A_583 : i32
          %scan3A_585 = arith.constant 1 : i32
          scf.for %scan3A_640 = %scan3A_582 to %scan3A_584 step %scan3A_585  : i32 {
            %mul3A_641 = arith.constant 1 : i32
            %mul3A_642 = arith.muli %scan3A_640, %mul3A_641 : i32
            %add3A_643 = arith.constant 0 : i32
            %add3A_644 = arith.addi %add3A_643, %mul3A_642 : i32
            %mul3A_645 = arith.constant 512 : i32
            %mul3A_646 = arith.muli %add3A_644, %mul3A_645 : i32
            %add3A_647 = arith.constant 0 : i32
            %add3A_648 = arith.addi %mul3A_646, %add3A_647 : i32
            %get3A_649 = arith.constant 0 : i32
            %get3A_650 = arith.constant 0 : i32
            %get3A_651 = tpu.memref_slice %run_scoped3A[%rem3A_410, %get3A_649, %get3A_650] : memref<2x8x2048xf32, #tpu.memory_space<vmem>> -> memref<1x8x2048xf32, #tpu.memory_space<vmem>>
            %get3A_652 = tpu.memref_squeeze %get3A_651 : memref<1x8x2048xf32, #tpu.memory_space<vmem>> -> memref<8x2048xf32, #tpu.memory_space<vmem>>
            %get3A_653 = arith.index_cast %add3A_581 : i32 to index
            %get3A_654 = arith.index_cast %add3A_648 : i32 to index
            %get3A_655 = tpu.vector_load %get3A_652[%get3A_653, %get3A_654] {strides = array<i32>} : memref<8x2048xf32, #tpu.memory_space<vmem>>, vector<1x16xf32>,
            %get3A_656 = vector.shape_cast %get3A_655 : vector<1x16xf32> to vector<16xf32>
            %add3A_657 = arith.constant 16 : i32
            %add3A_658 = arith.addi %mul3A_646, %add3A_657 : i32
            %get3A_659 = arith.constant 0 : i32
            %get3A_660 = arith.constant 0 : i32
            %get3A_661 = tpu.memref_slice %run_scoped3A[%rem3A_410, %get3A_659, %get3A_660] : memref<2x8x2048xf32, #tpu.memory_space<vmem>> -> memref<1x8x2048xf32, #tpu.memory_space<vmem>>
            %get3A_662 = tpu.memref_squeeze %get3A_661 : memref<1x8x2048xf32, #tpu.memory_space<vmem>> -> memref<8x2048xf32, #tpu.memory_space<vmem>>
            %get3A_663 = arith.index_cast %add3A_581 : i32 to index
            %get3A_664 = arith.index_cast %add3A_658 : i32 to index
            %get3A_665 = tpu.vector_load %get3A_662[%get3A_663, %get3A_664] {strides = array<i32>} : memref<8x2048xf32, #tpu.memory_space<vmem>>, vector<1x16xf32>,
            %get3A_666 = vector.shape_cast %get3A_665 : vector<1x16xf32> to vector<16xf32>
            %add3A_667 = arith.constant 32 : i32
            %add3A_668 = arith.addi %mul3A_646, %add3A_667 : i32
            %get3A_669 = arith.constant 0 : i32
            %get3A_670 = arith.constant 0 : i32
            %get3A_671 = tpu.memref_slice %run_scoped3A[%rem3A_410, %get3A_669, %get3A_670] : memref<2x8x2048xf32, #tpu.memory_space<vmem>> -> memref<1x8x2048xf32, #tpu.memory_space<vmem>>
            %get3A_672 = tpu.memref_squeeze %get3A_671 : memref<1x8x2048xf32, #tpu.memory_space<vmem>> -> memref<8x2048xf32, #tpu.memory_space<vmem>>
            %get3A_673 = arith.index_cast %add3A_581 : i32 to index
            %get3A_674 = arith.index_cast %add3A_668 : i32 to index
            %get3A_675 = tpu.vector_load %get3A_672[%get3A_673, %get3A_674] {strides = array<i32>} : memref<8x2048xf32, #tpu.memory_space<vmem>>, vector<1x16xf32>,
            %get3A_676 = vector.shape_cast %get3A_675 : vector<1x16xf32> to vector<16xf32>
            %add3A_677 = arith.constant 48 : i32
            %add3A_678 = arith.addi %mul3A_646, %add3A_677 : i32
            %get3A_679 = arith.constant 0 : i32
            %get3A_680 = arith.constant 0 : i32
            %get3A_681 = tpu.memref_slice %run_scoped3A[%rem3A_410, %get3A_679, %get3A_680] : memref<2x8x2048xf32, #tpu.memory_space<vmem>> -> memref<1x8x2048xf32, #tpu.memory_space<vmem>>
            %get3A_682 = tpu.memref_squeeze %get3A_681 : memref<1x8x2048xf32, #tpu.memory_space<vmem>> -> memref<8x2048xf32, #tpu.memory_space<vmem>>
            %get3A_683 = arith.index_cast %add3A_581 : i32 to index
            %get3A_684 = arith.index_cast %add3A_678 : i32 to index
            %get3A_685 = tpu.vector_load %get3A_682[%get3A_683, %get3A_684] {strides = array<i32>} : memref<8x2048xf32, #tpu.memory_space<vmem>>, vector<1x16xf32>,
            %get3A_686 = vector.shape_cast %get3A_685 : vector<1x16xf32> to vector<16xf32>
            %add3A_687 = arith.constant 64 : i32
            %add3A_688 = arith.addi %mul3A_646, %add3A_687 : i32
            %get3A_689 = arith.constant 0 : i32
            %get3A_690 = arith.constant 0 : i32
            %get3A_691 = tpu.memref_slice %run_scoped3A[%rem3A_410, %get3A_689, %get3A_690] : memref<2x8x2048xf32, #tpu.memory_space<vmem>> -> memref<1x8x2048xf32, #tpu.memory_space<vmem>>
            %get3A_692 = tpu.memref_squeeze %get3A_691 : memref<1x8x2048xf32, #tpu.memory_space<vmem>> -> memref<8x2048xf32, #tpu.memory_space<vmem>>
            %get3A_693 = arith.index_cast %add3A_581 : i32 to index
            %get3A_694 = arith.index_cast %add3A_688 : i32 to index
            %get3A_695 = tpu.vector_load %get3A_692[%get3A_693, %get3A_694] {strides = array<i32>} : memref<8x2048xf32, #tpu.memory_space<vmem>>, vector<1x16xf32>,
            %get3A_696 = vector.shape_cast %get3A_695 : vector<1x16xf32> to vector<16xf32>
            %add3A_697 = arith.constant 80 : i32
            %add3A_698 = arith.addi %mul3A_646, %add3A_697 : i32
            %get3A_699 = arith.constant 0 : i32
            %get3A_700 = arith.constant 0 : i32
            %get3A_701 = tpu.memref_slice %run_scoped3A[%rem3A_410, %get3A_699, %get3A_700] : memref<2x8x2048xf32, #tpu.memory_space<vmem>> -> memref<1x8x2048xf32, #tpu.memory_space<vmem>>
            %get3A_702 = tpu.memref_squeeze %get3A_701 : memref<1x8x2048xf32, #tpu.memory_space<vmem>> -> memref<8x2048xf32, #tpu.memory_space<vmem>>
            %get3A_703 = arith.index_cast %add3A_581 : i32 to index
            %get3A_704 = arith.index_cast %add3A_698 : i32 to index
            %get3A_705 = tpu.vector_load %get3A_702[%get3A_703, %get3A_704] {strides = array<i32>} : memref<8x2048xf32, #tpu.memory_space<vmem>>, vector<1x16xf32>,
            %get3A_706 = vector.shape_cast %get3A_705 : vector<1x16xf32> to vector<16xf32>
            %add3A_707 = arith.constant 96 : i32
            %add3A_708 = arith.addi %mul3A_646, %add3A_707 : i32
            %get3A_709 = arith.constant 0 : i32
            %get3A_710 = arith.constant 0 : i32
            %get3A_711 = tpu.memref_slice %run_scoped3A[%rem3A_410, %get3A_709, %get3A_710] : memref<2x8x2048xf32, #tpu.memory_space<vmem>> -> memref<1x8x2048xf32, #tpu.memory_space<vmem>>
            %get3A_712 = tpu.memref_squeeze %get3A_711 : memref<1x8x2048xf32, #tpu.memory_space<vmem>> -> memref<8x2048xf32, #tpu.memory_space<vmem>>
            %get3A_713 = arith.index_cast %add3A_581 : i32 to index
            %get3A_714 = arith.index_cast %add3A_708 : i32 to index
            %get3A_715 = tpu.vector_load %get3A_712[%get3A_713, %get3A_714] {strides = array<i32>} : memref<8x2048xf32, #tpu.memory_space<vmem>>, vector<1x16xf32>,
            %get3A_716 = vector.shape_cast %get3A_715 : vector<1x16xf32> to vector<16xf32>
            %add3A_717 = arith.constant 112 : i32
            %add3A_718 = arith.addi %mul3A_646, %add3A_717 : i32
            %get3A_719 = arith.constant 0 : i32
            %get3A_720 = arith.constant 0 : i32
            %get3A_721 = tpu.memref_slice %run_scoped3A[%rem3A_410, %get3A_719, %get3A_720] : memref<2x8x2048xf32, #tpu.memory_space<vmem>> -> memref<1x8x2048xf32, #tpu.memory_space<vmem>>
            %get3A_722 = tpu.memref_squeeze %get3A_721 : memref<1x8x2048xf32, #tpu.memory_space<vmem>> -> memref<8x2048xf32, #tpu.memory_space<vmem>>
            %get3A_723 = arith.index_cast %add3A_581 : i32 to index
            %get3A_724 = arith.index_cast %add3A_718 : i32 to index
            %get3A_725 = tpu.vector_load %get3A_722[%get3A_723, %get3A_724] {strides = array<i32>} : memref<8x2048xf32, #tpu.memory_space<vmem>>, vector<1x16xf32>,
            %get3A_726 = vector.shape_cast %get3A_725 : vector<1x16xf32> to vector<16xf32>
            %add3A_727 = arith.constant 128 : i32
            %add3A_728 = arith.addi %mul3A_646, %add3A_727 : i32
            %get3A_729 = arith.constant 0 : i32
            %get3A_730 = arith.constant 0 : i32
            %get3A_731 = tpu.memref_slice %run_scoped3A[%rem3A_410, %get3A_729, %get3A_730] : memref<2x8x2048xf32, #tpu.memory_space<vmem>> -> memref<1x8x2048xf32, #tpu.memory_space<vmem>>
            %get3A_732 = tpu.memref_squeeze %get3A_731 : memref<1x8x2048xf32, #tpu.memory_space<vmem>> -> memref<8x2048xf32, #tpu.memory_space<vmem>>
            %get3A_733 = arith.index_cast %add3A_581 : i32 to index
            %get3A_734 = arith.index_cast %add3A_728 : i32 to index
            %get3A_735 = tpu.vector_load %get3A_732[%get3A_733, %get3A_734] {strides = array<i32>} : memref<8x2048xf32, #tpu.memory_space<vmem>>, vector<1x16xf32>,
            %get3A_736 = vector.shape_cast %get3A_735 : vector<1x16xf32> to vector<16xf32>
            %add3A_737 = arith.constant 144 : i32
            %add3A_738 = arith.addi %mul3A_646, %add3A_737 : i32
            %get3A_739 = arith.constant 0 : i32
            %get3A_740 = arith.constant 0 : i32
            %get3A_741 = tpu.memref_slice %run_scoped3A[%rem3A_410, %get3A_739, %get3A_740] : memref<2x8x2048xf32, #tpu.memory_space<vmem>> -> memref<1x8x2048xf32, #tpu.memory_space<vmem>>
            %get3A_742 = tpu.memref_squeeze %get3A_741 : memref<1x8x2048xf32, #tpu.memory_space<vmem>> -> memref<8x2048xf32, #tpu.memory_space<vmem>>
            %get3A_743 = arith.index_cast %add3A_581 : i32 to index
            %get3A_744 = arith.index_cast %add3A_738 : i32 to index
            %get3A_745 = tpu.vector_load %get3A_742[%get3A_743, %get3A_744] {strides = array<i32>} : memref<8x2048xf32, #tpu.memory_space<vmem>>, vector<1x16xf32>,
            %get3A_746 = vector.shape_cast %get3A_745 : vector<1x16xf32> to vector<16xf32>
            %add3A_747 = arith.constant 160 : i32
            %add3A_748 = arith.addi %mul3A_646, %add3A_747 : i32
            %get3A_749 = arith.constant 0 : i32
            %get3A_750 = arith.constant 0 : i32
            %get3A_751 = tpu.memref_slice %run_scoped3A[%rem3A_410, %get3A_749, %get3A_750] : memref<2x8x2048xf32, #tpu.memory_space<vmem>> -> memref<1x8x2048xf32, #tpu.memory_space<vmem>>
            %get3A_752 = tpu.memref_squeeze %get3A_751 : memref<1x8x2048xf32, #tpu.memory_space<vmem>> -> memref<8x2048xf32, #tpu.memory_space<vmem>>
            %get3A_753 = arith.index_cast %add3A_581 : i32 to index
            %get3A_754 = arith.index_cast %add3A_748 : i32 to index
            %get3A_755 = tpu.vector_load %get3A_752[%get3A_753, %get3A_754] {strides = array<i32>} : memref<8x2048xf32, #tpu.memory_space<vmem>>, vector<1x16xf32>,
            %get3A_756 = vector.shape_cast %get3A_755 : vector<1x16xf32> to vector<16xf32>
            %add3A_757 = arith.constant 176 : i32
            %add3A_758 = arith.addi %mul3A_646, %add3A_757 : i32
            %get3A_759 = arith.constant 0 : i32
            %get3A_760 = arith.constant 0 : i32
            %get3A_761 = tpu.memref_slice %run_scoped3A[%rem3A_410, %get3A_759, %get3A_760] : memref<2x8x2048xf32, #tpu.memory_space<vmem>> -> memref<1x8x2048xf32, #tpu.memory_space<vmem>>
            %get3A_762 = tpu.memref_squeeze %get3A_761 : memref<1x8x2048xf32, #tpu.memory_space<vmem>> -> memref<8x2048xf32, #tpu.memory_space<vmem>>
            %get3A_763 = arith.index_cast %add3A_581 : i32 to index
            %get3A_764 = arith.index_cast %add3A_758 : i32 to index
            %get3A_765 = tpu.vector_load %get3A_762[%get3A_763, %get3A_764] {strides = array<i32>} : memref<8x2048xf32, #tpu.memory_space<vmem>>, vector<1x16xf32>,
            %get3A_766 = vector.shape_cast %get3A_765 : vector<1x16xf32> to vector<16xf32>
            %add3A_767 = arith.constant 192 : i32
            %add3A_768 = arith.addi %mul3A_646, %add3A_767 : i32
            %get3A_769 = arith.constant 0 : i32
            %get3A_770 = arith.constant 0 : i32
            %get3A_771 = tpu.memref_slice %run_scoped3A[%rem3A_410, %get3A_769, %get3A_770] : memref<2x8x2048xf32, #tpu.memory_space<vmem>> -> memref<1x8x2048xf32, #tpu.memory_space<vmem>>
            %get3A_772 = tpu.memref_squeeze %get3A_771 : memref<1x8x2048xf32, #tpu.memory_space<vmem>> -> memref<8x2048xf32, #tpu.memory_space<vmem>>
            %get3A_773 = arith.index_cast %add3A_581 : i32 to index
            %get3A_774 = arith.index_cast %add3A_768 : i32 to index
            %get3A_775 = tpu.vector_load %get3A_772[%get3A_773, %get3A_774] {strides = array<i32>} : memref<8x2048xf32, #tpu.memory_space<vmem>>, vector<1x16xf32>,
            %get3A_776 = vector.shape_cast %get3A_775 : vector<1x16xf32> to vector<16xf32>
            %add3A_777 = arith.constant 208 : i32
            %add3A_778 = arith.addi %mul3A_646, %add3A_777 : i32
            %get3A_779 = arith.constant 0 : i32
            %get3A_780 = arith.constant 0 : i32
            %get3A_781 = tpu.memref_slice %run_scoped3A[%rem3A_410, %get3A_779, %get3A_780] : memref<2x8x2048xf32, #tpu.memory_space<vmem>> -> memref<1x8x2048xf32, #tpu.memory_space<vmem>>
            %get3A_782 = tpu.memref_squeeze %get3A_781 : memref<1x8x2048xf32, #tpu.memory_space<vmem>> -> memref<8x2048xf32, #tpu.memory_space<vmem>>
            %get3A_783 = arith.index_cast %add3A_581 : i32 to index
            %get3A_784 = arith.index_cast %add3A_778 : i32 to index
            %get3A_785 = tpu.vector_load %get3A_782[%get3A_783, %get3A_784] {strides = array<i32>} : memref<8x2048xf32, #tpu.memory_space<vmem>>, vector<1x16xf32>,
            %get3A_786 = vector.shape_cast %get3A_785 : vector<1x16xf32> to vector<16xf32>
            %add3A_787 = arith.constant 224 : i32
            %add3A_788 = arith.addi %mul3A_646, %add3A_787 : i32
            %get3A_789 = arith.constant 0 : i32
            %get3A_790 = arith.constant 0 : i32
            %get3A_791 = tpu.memref_slice %run_scoped3A[%rem3A_410, %get3A_789, %get3A_790] : memref<2x8x2048xf32, #tpu.memory_space<vmem>> -> memref<1x8x2048xf32, #tpu.memory_space<vmem>>
            %get3A_792 = tpu.memref_squeeze %get3A_791 : memref<1x8x2048xf32, #tpu.memory_space<vmem>> -> memref<8x2048xf32, #tpu.memory_space<vmem>>
            %get3A_793 = arith.index_cast %add3A_581 : i32 to index
            %get3A_794 = arith.index_cast %add3A_788 : i32 to index
            %get3A_795 = tpu.vector_load %get3A_792[%get3A_793, %get3A_794] {strides = array<i32>} : memref<8x2048xf32, #tpu.memory_space<vmem>>, vector<1x16xf32>,
            %get3A_796 = vector.shape_cast %get3A_795 : vector<1x16xf32> to vector<16xf32>
            %add3A_797 = arith.constant 240 : i32
            %add3A_798 = arith.addi %mul3A_646, %add3A_797 : i32
            %get3A_799 = arith.constant 0 : i32
            %get3A_800 = arith.constant 0 : i32
            %get3A_801 = tpu.memref_slice %run_scoped3A[%rem3A_410, %get3A_799, %get3A_800] : memref<2x8x2048xf32, #tpu.memory_space<vmem>> -> memref<1x8x2048xf32, #tpu.memory_space<vmem>>
            %get3A_802 = tpu.memref_squeeze %get3A_801 : memref<1x8x2048xf32, #tpu.memory_space<vmem>> -> memref<8x2048xf32, #tpu.memory_space<vmem>>
            %get3A_803 = arith.index_cast %add3A_581 : i32 to index
            %get3A_804 = arith.index_cast %add3A_798 : i32 to index
            %get3A_805 = tpu.vector_load %get3A_802[%get3A_803, %get3A_804] {strides = array<i32>} : memref<8x2048xf32, #tpu.memory_space<vmem>>, vector<1x16xf32>,
            %get3A_806 = vector.shape_cast %get3A_805 : vector<1x16xf32> to vector<16xf32>
            %add3A_807 = arith.constant 256 : i32
            %add3A_808 = arith.addi %mul3A_646, %add3A_807 : i32
            %get3A_809 = arith.constant 0 : i32
            %get3A_810 = arith.constant 0 : i32
            %get3A_811 = tpu.memref_slice %run_scoped3A[%rem3A_410, %get3A_809, %get3A_810] : memref<2x8x2048xf32, #tpu.memory_space<vmem>> -> memref<1x8x2048xf32, #tpu.memory_space<vmem>>
            %get3A_812 = tpu.memref_squeeze %get3A_811 : memref<1x8x2048xf32, #tpu.memory_space<vmem>> -> memref<8x2048xf32, #tpu.memory_space<vmem>>
            %get3A_813 = arith.index_cast %add3A_581 : i32 to index
            %get3A_814 = arith.index_cast %add3A_808 : i32 to index
            %get3A_815 = tpu.vector_load %get3A_812[%get3A_813, %get3A_814] {strides = array<i32>} : memref<8x2048xf32, #tpu.memory_space<vmem>>, vector<1x16xf32>,
            %get3A_816 = vector.shape_cast %get3A_815 : vector<1x16xf32> to vector<16xf32>
            %add3A_817 = arith.constant 272 : i32
            %add3A_818 = arith.addi %mul3A_646, %add3A_817 : i32
            %get3A_819 = arith.constant 0 : i32
            %get3A_820 = arith.constant 0 : i32
            %get3A_821 = tpu.memref_slice %run_scoped3A[%rem3A_410, %get3A_819, %get3A_820] : memref<2x8x2048xf32, #tpu.memory_space<vmem>> -> memref<1x8x2048xf32, #tpu.memory_space<vmem>>
            %get3A_822 = tpu.memref_squeeze %get3A_821 : memref<1x8x2048xf32, #tpu.memory_space<vmem>> -> memref<8x2048xf32, #tpu.memory_space<vmem>>
            %get3A_823 = arith.index_cast %add3A_581 : i32 to index
            %get3A_824 = arith.index_cast %add3A_818 : i32 to index
            %get3A_825 = tpu.vector_load %get3A_822[%get3A_823, %get3A_824] {strides = array<i32>} : memref<8x2048xf32, #tpu.memory_space<vmem>>, vector<1x16xf32>,
            %get3A_826 = vector.shape_cast %get3A_825 : vector<1x16xf32> to vector<16xf32>
            %add3A_827 = arith.constant 288 : i32
            %add3A_828 = arith.addi %mul3A_646, %add3A_827 : i32
            %get3A_829 = arith.constant 0 : i32
            %get3A_830 = arith.constant 0 : i32
            %get3A_831 = tpu.memref_slice %run_scoped3A[%rem3A_410, %get3A_829, %get3A_830] : memref<2x8x2048xf32, #tpu.memory_space<vmem>> -> memref<1x8x2048xf32, #tpu.memory_space<vmem>>
            %get3A_832 = tpu.memref_squeeze %get3A_831 : memref<1x8x2048xf32, #tpu.memory_space<vmem>> -> memref<8x2048xf32, #tpu.memory_space<vmem>>
            %get3A_833 = arith.index_cast %add3A_581 : i32 to index
            %get3A_834 = arith.index_cast %add3A_828 : i32 to index
            %get3A_835 = tpu.vector_load %get3A_832[%get3A_833, %get3A_834] {strides = array<i32>} : memref<8x2048xf32, #tpu.memory_space<vmem>>, vector<1x16xf32>,
            %get3A_836 = vector.shape_cast %get3A_835 : vector<1x16xf32> to vector<16xf32>
            %add3A_837 = arith.constant 304 : i32
            %add3A_838 = arith.addi %mul3A_646, %add3A_837 : i32
            %get3A_839 = arith.constant 0 : i32
            %get3A_840 = arith.constant 0 : i32
            %get3A_841 = tpu.memref_slice %run_scoped3A[%rem3A_410, %get3A_839, %get3A_840] : memref<2x8x2048xf32, #tpu.memory_space<vmem>> -> memref<1x8x2048xf32, #tpu.memory_space<vmem>>
            %get3A_842 = tpu.memref_squeeze %get3A_841 : memref<1x8x2048xf32, #tpu.memory_space<vmem>> -> memref<8x2048xf32, #tpu.memory_space<vmem>>
            %get3A_843 = arith.index_cast %add3A_581 : i32 to index
            %get3A_844 = arith.index_cast %add3A_838 : i32 to index
            %get3A_845 = tpu.vector_load %get3A_842[%get3A_843, %get3A_844] {strides = array<i32>} : memref<8x2048xf32, #tpu.memory_space<vmem>>, vector<1x16xf32>,
            %get3A_846 = vector.shape_cast %get3A_845 : vector<1x16xf32> to vector<16xf32>
            %add3A_847 = arith.constant 320 : i32
            %add3A_848 = arith.addi %mul3A_646, %add3A_847 : i32
            %get3A_849 = arith.constant 0 : i32
            %get3A_850 = arith.constant 0 : i32
            %get3A_851 = tpu.memref_slice %run_scoped3A[%rem3A_410, %get3A_849, %get3A_850] : memref<2x8x2048xf32, #tpu.memory_space<vmem>> -> memref<1x8x2048xf32, #tpu.memory_space<vmem>>
            %get3A_852 = tpu.memref_squeeze %get3A_851 : memref<1x8x2048xf32, #tpu.memory_space<vmem>> -> memref<8x2048xf32, #tpu.memory_space<vmem>>
            %get3A_853 = arith.index_cast %add3A_581 : i32 to index
            %get3A_854 = arith.index_cast %add3A_848 : i32 to index
            %get3A_855 = tpu.vector_load %get3A_852[%get3A_853, %get3A_854] {strides = array<i32>} : memref<8x2048xf32, #tpu.memory_space<vmem>>, vector<1x16xf32>,
            %get3A_856 = vector.shape_cast %get3A_855 : vector<1x16xf32> to vector<16xf32>
            %add3A_857 = arith.constant 336 : i32
            %add3A_858 = arith.addi %mul3A_646, %add3A_857 : i32
            %get3A_859 = arith.constant 0 : i32
            %get3A_860 = arith.constant 0 : i32
            %get3A_861 = tpu.memref_slice %run_scoped3A[%rem3A_410, %get3A_859, %get3A_860] : memref<2x8x2048xf32, #tpu.memory_space<vmem>> -> memref<1x8x2048xf32, #tpu.memory_space<vmem>>
            %get3A_862 = tpu.memref_squeeze %get3A_861 : memref<1x8x2048xf32, #tpu.memory_space<vmem>> -> memref<8x2048xf32, #tpu.memory_space<vmem>>
            %get3A_863 = arith.index_cast %add3A_581 : i32 to index
            %get3A_864 = arith.index_cast %add3A_858 : i32 to index
            %get3A_865 = tpu.vector_load %get3A_862[%get3A_863, %get3A_864] {strides = array<i32>} : memref<8x2048xf32, #tpu.memory_space<vmem>>, vector<1x16xf32>,
            %get3A_866 = vector.shape_cast %get3A_865 : vector<1x16xf32> to vector<16xf32>
            %add3A_867 = arith.constant 352 : i32
            %add3A_868 = arith.addi %mul3A_646, %add3A_867 : i32
            %get3A_869 = arith.constant 0 : i32
            %get3A_870 = arith.constant 0 : i32
            %get3A_871 = tpu.memref_slice %run_scoped3A[%rem3A_410, %get3A_869, %get3A_870] : memref<2x8x2048xf32, #tpu.memory_space<vmem>> -> memref<1x8x2048xf32, #tpu.memory_space<vmem>>
            %get3A_872 = tpu.memref_squeeze %get3A_871 : memref<1x8x2048xf32, #tpu.memory_space<vmem>> -> memref<8x2048xf32, #tpu.memory_space<vmem>>
            %get3A_873 = arith.index_cast %add3A_581 : i32 to index
            %get3A_874 = arith.index_cast %add3A_868 : i32 to index
            %get3A_875 = tpu.vector_load %get3A_872[%get3A_873, %get3A_874] {strides = array<i32>} : memref<8x2048xf32, #tpu.memory_space<vmem>>, vector<1x16xf32>,
            %get3A_876 = vector.shape_cast %get3A_875 : vector<1x16xf32> to vector<16xf32>
            %add3A_877 = arith.constant 368 : i32
            %add3A_878 = arith.addi %mul3A_646, %add3A_877 : i32
            %get3A_879 = arith.constant 0 : i32
            %get3A_880 = arith.constant 0 : i32
            %get3A_881 = tpu.memref_slice %run_scoped3A[%rem3A_410, %get3A_879, %get3A_880] : memref<2x8x2048xf32, #tpu.memory_space<vmem>> -> memref<1x8x2048xf32, #tpu.memory_space<vmem>>
            %get3A_882 = tpu.memref_squeeze %get3A_881 : memref<1x8x2048xf32, #tpu.memory_space<vmem>> -> memref<8x2048xf32, #tpu.memory_space<vmem>>
            %get3A_883 = arith.index_cast %add3A_581 : i32 to index
            %get3A_884 = arith.index_cast %add3A_878 : i32 to index
            %get3A_885 = tpu.vector_load %get3A_882[%get3A_883, %get3A_884] {strides = array<i32>} : memref<8x2048xf32, #tpu.memory_space<vmem>>, vector<1x16xf32>,
            %get3A_886 = vector.shape_cast %get3A_885 : vector<1x16xf32> to vector<16xf32>
            %add3A_887 = arith.constant 384 : i32
            %add3A_888 = arith.addi %mul3A_646, %add3A_887 : i32
            %get3A_889 = arith.constant 0 : i32
            %get3A_890 = arith.constant 0 : i32
            %get3A_891 = tpu.memref_slice %run_scoped3A[%rem3A_410, %get3A_889, %get3A_890] : memref<2x8x2048xf32, #tpu.memory_space<vmem>> -> memref<1x8x2048xf32, #tpu.memory_space<vmem>>
            %get3A_892 = tpu.memref_squeeze %get3A_891 : memref<1x8x2048xf32, #tpu.memory_space<vmem>> -> memref<8x2048xf32, #tpu.memory_space<vmem>>
            %get3A_893 = arith.index_cast %add3A_581 : i32 to index
            %get3A_894 = arith.index_cast %add3A_888 : i32 to index
            %get3A_895 = tpu.vector_load %get3A_892[%get3A_893, %get3A_894] {strides = array<i32>} : memref<8x2048xf32, #tpu.memory_space<vmem>>, vector<1x16xf32>,
            %get3A_896 = vector.shape_cast %get3A_895 : vector<1x16xf32> to vector<16xf32>
            %add3A_897 = arith.constant 400 : i32
            %add3A_898 = arith.addi %mul3A_646, %add3A_897 : i32
            %get3A_899 = arith.constant 0 : i32
            %get3A_900 = arith.constant 0 : i32
            %get3A_901 = tpu.memref_slice %run_scoped3A[%rem3A_410, %get3A_899, %get3A_900] : memref<2x8x2048xf32, #tpu.memory_space<vmem>> -> memref<1x8x2048xf32, #tpu.memory_space<vmem>>
            %get3A_902 = tpu.memref_squeeze %get3A_901 : memref<1x8x2048xf32, #tpu.memory_space<vmem>> -> memref<8x2048xf32, #tpu.memory_space<vmem>>
            %get3A_903 = arith.index_cast %add3A_581 : i32 to index
            %get3A_904 = arith.index_cast %add3A_898 : i32 to index
            %get3A_905 = tpu.vector_load %get3A_902[%get3A_903, %get3A_904] {strides = array<i32>} : memref<8x2048xf32, #tpu.memory_space<vmem>>, vector<1x16xf32>,
            %get3A_906 = vector.shape_cast %get3A_905 : vector<1x16xf32> to vector<16xf32>
            %add3A_907 = arith.constant 416 : i32
            %add3A_908 = arith.addi %mul3A_646, %add3A_907 : i32
            %get3A_909 = arith.constant 0 : i32
            %get3A_910 = arith.constant 0 : i32
            %get3A_911 = tpu.memref_slice %run_scoped3A[%rem3A_410, %get3A_909, %get3A_910] : memref<2x8x2048xf32, #tpu.memory_space<vmem>> -> memref<1x8x2048xf32, #tpu.memory_space<vmem>>
            %get3A_912 = tpu.memref_squeeze %get3A_911 : memref<1x8x2048xf32, #tpu.memory_space<vmem>> -> memref<8x2048xf32, #tpu.memory_space<vmem>>
            %get3A_913 = arith.index_cast %add3A_581 : i32 to index
            %get3A_914 = arith.index_cast %add3A_908 : i32 to index
            %get3A_915 = tpu.vector_load %get3A_912[%get3A_913, %get3A_914] {strides = array<i32>} : memref<8x2048xf32, #tpu.memory_space<vmem>>, vector<1x16xf32>,
            %get3A_916 = vector.shape_cast %get3A_915 : vector<1x16xf32> to vector<16xf32>
            %add3A_917 = arith.constant 432 : i32
            %add3A_918 = arith.addi %mul3A_646, %add3A_917 : i32
            %get3A_919 = arith.constant 0 : i32
            %get3A_920 = arith.constant 0 : i32
            %get3A_921 = tpu.memref_slice %run_scoped3A[%rem3A_410, %get3A_919, %get3A_920] : memref<2x8x2048xf32, #tpu.memory_space<vmem>> -> memref<1x8x2048xf32, #tpu.memory_space<vmem>>
            %get3A_922 = tpu.memref_squeeze %get3A_921 : memref<1x8x2048xf32, #tpu.memory_space<vmem>> -> memref<8x2048xf32, #tpu.memory_space<vmem>>
            %get3A_923 = arith.index_cast %add3A_581 : i32 to index
            %get3A_924 = arith.index_cast %add3A_918 : i32 to index
            %get3A_925 = tpu.vector_load %get3A_922[%get3A_923, %get3A_924] {strides = array<i32>} : memref<8x2048xf32, #tpu.memory_space<vmem>>, vector<1x16xf32>,
            %get3A_926 = vector.shape_cast %get3A_925 : vector<1x16xf32> to vector<16xf32>
            %add3A_927 = arith.constant 448 : i32
            %add3A_928 = arith.addi %mul3A_646, %add3A_927 : i32
            %get3A_929 = arith.constant 0 : i32
            %get3A_930 = arith.constant 0 : i32
            %get3A_931 = tpu.memref_slice %run_scoped3A[%rem3A_410, %get3A_929, %get3A_930] : memref<2x8x2048xf32, #tpu.memory_space<vmem>> -> memref<1x8x2048xf32, #tpu.memory_space<vmem>>
            %get3A_932 = tpu.memref_squeeze %get3A_931 : memref<1x8x2048xf32, #tpu.memory_space<vmem>> -> memref<8x2048xf32, #tpu.memory_space<vmem>>
            %get3A_933 = arith.index_cast %add3A_581 : i32 to index
            %get3A_934 = arith.index_cast %add3A_928 : i32 to index
            %get3A_935 = tpu.vector_load %get3A_932[%get3A_933, %get3A_934] {strides = array<i32>} : memref<8x2048xf32, #tpu.memory_space<vmem>>, vector<1x16xf32>,
            %get3A_936 = vector.shape_cast %get3A_935 : vector<1x16xf32> to vector<16xf32>
            %add3A_937 = arith.constant 464 : i32
            %add3A_938 = arith.addi %mul3A_646, %add3A_937 : i32
            %get3A_939 = arith.constant 0 : i32
            %get3A_940 = arith.constant 0 : i32
            %get3A_941 = tpu.memref_slice %run_scoped3A[%rem3A_410, %get3A_939, %get3A_940] : memref<2x8x2048xf32, #tpu.memory_space<vmem>> -> memref<1x8x2048xf32, #tpu.memory_space<vmem>>
            %get3A_942 = tpu.memref_squeeze %get3A_941 : memref<1x8x2048xf32, #tpu.memory_space<vmem>> -> memref<8x2048xf32, #tpu.memory_space<vmem>>
            %get3A_943 = arith.index_cast %add3A_581 : i32 to index
            %get3A_944 = arith.index_cast %add3A_938 : i32 to index
            %get3A_945 = tpu.vector_load %get3A_942[%get3A_943, %get3A_944] {strides = array<i32>} : memref<8x2048xf32, #tpu.memory_space<vmem>>, vector<1x16xf32>,
            %get3A_946 = vector.shape_cast %get3A_945 : vector<1x16xf32> to vector<16xf32>
            %add3A_947 = arith.constant 480 : i32
            %add3A_948 = arith.addi %mul3A_646, %add3A_947 : i32
            %get3A_949 = arith.constant 0 : i32
            %get3A_950 = arith.constant 0 : i32
            %get3A_951 = tpu.memref_slice %run_scoped3A[%rem3A_410, %get3A_949, %get3A_950] : memref<2x8x2048xf32, #tpu.memory_space<vmem>> -> memref<1x8x2048xf32, #tpu.memory_space<vmem>>
            %get3A_952 = tpu.memref_squeeze %get3A_951 : memref<1x8x2048xf32, #tpu.memory_space<vmem>> -> memref<8x2048xf32, #tpu.memory_space<vmem>>
            %get3A_953 = arith.index_cast %add3A_581 : i32 to index
            %get3A_954 = arith.index_cast %add3A_948 : i32 to index
            %get3A_955 = tpu.vector_load %get3A_952[%get3A_953, %get3A_954] {strides = array<i32>} : memref<8x2048xf32, #tpu.memory_space<vmem>>, vector<1x16xf32>,
            %get3A_956 = vector.shape_cast %get3A_955 : vector<1x16xf32> to vector<16xf32>
            %add3A_957 = arith.constant 496 : i32
            %add3A_958 = arith.addi %mul3A_646, %add3A_957 : i32
            %get3A_959 = arith.constant 0 : i32
            %get3A_960 = arith.constant 0 : i32
            %get3A_961 = tpu.memref_slice %run_scoped3A[%rem3A_410, %get3A_959, %get3A_960] : memref<2x8x2048xf32, #tpu.memory_space<vmem>> -> memref<1x8x2048xf32, #tpu.memory_space<vmem>>
            %get3A_962 = tpu.memref_squeeze %get3A_961 : memref<1x8x2048xf32, #tpu.memory_space<vmem>> -> memref<8x2048xf32, #tpu.memory_space<vmem>>
            %get3A_963 = arith.index_cast %add3A_581 : i32 to index
            %get3A_964 = arith.index_cast %add3A_958 : i32 to index
            %get3A_965 = tpu.vector_load %get3A_962[%get3A_963, %get3A_964] {strides = array<i32>} : memref<8x2048xf32, #tpu.memory_space<vmem>>, vector<1x16xf32>,
            %get3A_966 = vector.shape_cast %get3A_965 : vector<1x16xf32> to vector<16xf32>
            %max3A = arith.maximumf %get3A_656, %get3A_666 : vector<16xf32>
            %max3A_967 = arith.maximumf %max3A, %get3A_676 : vector<16xf32>
            %max3A_968 = arith.maximumf %max3A_967, %get3A_686 : vector<16xf32>
            %max3A_969 = arith.maximumf %max3A_968, %get3A_696 : vector<16xf32>
            %max3A_970 = arith.maximumf %max3A_969, %get3A_706 : vector<16xf32>
            %max3A_971 = arith.maximumf %max3A_970, %get3A_716 : vector<16xf32>
            %max3A_972 = arith.maximumf %max3A_971, %get3A_726 : vector<16xf32>
            %max3A_973 = arith.maximumf %max3A_972, %get3A_736 : vector<16xf32>
            %max3A_974 = arith.maximumf %max3A_973, %get3A_746 : vector<16xf32>
            %max3A_975 = arith.maximumf %max3A_974, %get3A_756 : vector<16xf32>
            %max3A_976 = arith.maximumf %max3A_975, %get3A_766 : vector<16xf32>
            %max3A_977 = arith.maximumf %max3A_976, %get3A_776 : vector<16xf32>
            %max3A_978 = arith.maximumf %max3A_977, %get3A_786 : vector<16xf32>
            %max3A_979 = arith.maximumf %max3A_978, %get3A_796 : vector<16xf32>
            %max3A_980 = arith.maximumf %max3A_979, %get3A_806 : vector<16xf32>
            %max3A_981 = arith.maximumf %max3A_980, %get3A_816 : vector<16xf32>
            %max3A_982 = arith.maximumf %max3A_981, %get3A_826 : vector<16xf32>
            %max3A_983 = arith.maximumf %max3A_982, %get3A_836 : vector<16xf32>
            %max3A_984 = arith.maximumf %max3A_983, %get3A_846 : vector<16xf32>
            %max3A_985 = arith.maximumf %max3A_984, %get3A_856 : vector<16xf32>
            %max3A_986 = arith.maximumf %max3A_985, %get3A_866 : vector<16xf32>
            %max3A_987 = arith.maximumf %max3A_986, %get3A_876 : vector<16xf32>
            %max3A_988 = arith.maximumf %max3A_987, %get3A_886 : vector<16xf32>
            %max3A_989 = arith.maximumf %max3A_988, %get3A_896 : vector<16xf32>
            %max3A_990 = arith.maximumf %max3A_989, %get3A_906 : vector<16xf32>
            %max3A_991 = arith.maximumf %max3A_990, %get3A_916 : vector<16xf32>
            %max3A_992 = arith.maximumf %max3A_991, %get3A_926 : vector<16xf32>
            %max3A_993 = arith.maximumf %max3A_992, %get3A_936 : vector<16xf32>
            %max3A_994 = arith.maximumf %max3A_993, %get3A_946 : vector<16xf32>
            %max3A_995 = arith.maximumf %max3A_994, %get3A_956 : vector<16xf32>
            %max3A_996 = arith.maximumf %max3A_995, %get3A_966 : vector<16xf32>
            %mul3A_997 = arith.constant 16 : i32
            %mul3A_998 = arith.muli %add3A_644, %mul3A_997 : i32
            %swap3A_999 = arith.constant 0 : i32
            %swap3A_1000 = arith.constant 0 : i32
            %swap3A_1001 = tpu.memref_slice %run_scoped3A_12[%rem3A_416, %swap3A_999, %swap3A_1000] : memref<2x8x128xf32, #tpu.memory_space<vmem>> -> memref<1x8x128xf32, #tpu.memory_space<vmem>>
            %swap3A_1002 = tpu.memref_squeeze %swap3A_1001 : memref<1x8x128xf32, #tpu.memory_space<vmem>> -> memref<8x128xf32, #tpu.memory_space<vmem>>
            %swap3A_1003 = arith.index_cast %add3A_581 : i32 to index
            %swap3A_1004 = arith.index_cast %mul3A_998 : i32 to index
            %swap3A_1005 = tpu.vector_load %swap3A_1002[%swap3A_1003, %swap3A_1004] {strides = array<i32>} : memref<8x128xf32, #tpu.memory_space<vmem>>, vector<1x16xf32>,
            %swap3A_1006 = vector.shape_cast %swap3A_1005 : vector<1x16xf32> to vector<16xf32>
            %swap3A_1007 = vector.shape_cast %max3A_996 : vector<16xf32> to vector<1x16xf32>
            tpu.vector_store %swap3A_1002[%swap3A_1003, %swap3A_1004], %swap3A_1007 {strides = array<i32>} : memref<8x128xf32, #tpu.memory_space<vmem>>, vector<1x16xf32>,
          }
          %scan3A_586 = arith.constant 4 : i32
          %swap3A = arith.constant 0 : i32
          %swap3A_587 = arith.constant 0 : i32
          %swap3A_588 = tpu.memref_slice %run_scoped3A_12[%rem3A_416, %swap3A, %swap3A_587] : memref<2x8x128xf32, #tpu.memory_space<vmem>> -> memref<1x8x128xf32, #tpu.memory_space<vmem>>
          %swap3A_589 = tpu.memref_squeeze %swap3A_588 : memref<1x8x128xf32, #tpu.memory_space<vmem>> -> memref<8x128xf32, #tpu.memory_space<vmem>>
          %swap3A_590 = arith.index_cast %add3A_581 : i32 to index
          %swap3A_591 = arith.constant 64 : index
          %swap3A_592 = tpu.vector_load %swap3A_589[%swap3A_590, %swap3A_591] {strides = array<i32>} : memref<8x128xf32, #tpu.memory_space<vmem>>, vector<1x16xf32>,
          %swap3A_593 = vector.shape_cast %swap3A_592 : vector<1x16xf32> to vector<16xf32>
          %swap3A_594 = vector.shape_cast %broadcast_in_dim3A_417 : vector<16xf32> to vector<1x16xf32>
          tpu.vector_store %swap3A_589[%swap3A_590, %swap3A_591], %swap3A_594 {strides = array<i32>} : memref<8x128xf32, #tpu.memory_space<vmem>>, vector<1x16xf32>,
          %swap3A_595 = arith.constant 0 : i32
          %swap3A_596 = arith.constant 0 : i32
          %swap3A_597 = tpu.memref_slice %run_scoped3A_12[%rem3A_416, %swap3A_595, %swap3A_596] : memref<2x8x128xf32, #tpu.memory_space<vmem>> -> memref<1x8x128xf32, #tpu.memory_space<vmem>>
          %swap3A_598 = tpu.memref_squeeze %swap3A_597 : memref<1x8x128xf32, #tpu.memory_space<vmem>> -> memref<8x128xf32, #tpu.memory_space<vmem>>
          %swap3A_599 = arith.index_cast %add3A_581 : i32 to index
          %swap3A_600 = arith.constant 80 : index
          %swap3A_601 = tpu.vector_load %swap3A_598[%swap3A_599, %swap3A_600] {strides = array<i32>} : memref<8x128xf32, #tpu.memory_space<vmem>>, vector<1x16xf32>,
          %swap3A_602 = vector.shape_cast %swap3A_601 : vector<1x16xf32> to vector<16xf32>
          %swap3A_603 = vector.shape_cast %broadcast_in_dim3A_417 : vector<16xf32> to vector<1x16xf32>
          tpu.vector_store %swap3A_598[%swap3A_599, %swap3A_600], %swap3A_603 {strides = array<i32>} : memref<8x128xf32, #tpu.memory_space<vmem>>, vector<1x16xf32>,
          %swap3A_604 = arith.constant 0 : i32
          %swap3A_605 = arith.constant 0 : i32
          %swap3A_606 = tpu.memref_slice %run_scoped3A_12[%rem3A_416, %swap3A_604, %swap3A_605] : memref<2x8x128xf32, #tpu.memory_space<vmem>> -> memref<1x8x128xf32, #tpu.memory_space<vmem>>
          %swap3A_607 = tpu.memref_squeeze %swap3A_606 : memref<1x8x128xf32, #tpu.memory_space<vmem>> -> memref<8x128xf32, #tpu.memory_space<vmem>>
          %swap3A_608 = arith.index_cast %add3A_581 : i32 to index
          %swap3A_609 = arith.constant 96 : index
          %swap3A_610 = tpu.vector_load %swap3A_607[%swap3A_608, %swap3A_609] {strides = array<i32>} : memref<8x128xf32, #tpu.memory_space<vmem>>, vector<1x16xf32>,
          %swap3A_611 = vector.shape_cast %swap3A_610 : vector<1x16xf32> to vector<16xf32>
          %swap3A_612 = vector.shape_cast %broadcast_in_dim3A_417 : vector<16xf32> to vector<1x16xf32>
          tpu.vector_store %swap3A_607[%swap3A_608, %swap3A_609], %swap3A_612 {strides = array<i32>} : memref<8x128xf32, #tpu.memory_space<vmem>>, vector<1x16xf32>,
          %swap3A_613 = arith.constant 0 : i32
          %swap3A_614 = arith.constant 0 : i32
          %swap3A_615 = tpu.memref_slice %run_scoped3A_12[%rem3A_416, %swap3A_613, %swap3A_614] : memref<2x8x128xf32, #tpu.memory_space<vmem>> -> memref<1x8x128xf32, #tpu.memory_space<vmem>>
          %swap3A_616 = tpu.memref_squeeze %swap3A_615 : memref<1x8x128xf32, #tpu.memory_space<vmem>> -> memref<8x128xf32, #tpu.memory_space<vmem>>
          %swap3A_617 = arith.index_cast %add3A_581 : i32 to index
          %swap3A_618 = arith.constant 112 : index
          %swap3A_619 = tpu.vector_load %swap3A_616[%swap3A_617, %swap3A_618] {strides = array<i32>} : memref<8x128xf32, #tpu.memory_space<vmem>>, vector<1x16xf32>,
          %swap3A_620 = vector.shape_cast %swap3A_619 : vector<1x16xf32> to vector<16xf32>
          %swap3A_621 = vector.shape_cast %broadcast_in_dim3A_417 : vector<16xf32> to vector<1x16xf32>
          tpu.vector_store %swap3A_616[%swap3A_617, %swap3A_618], %swap3A_621 {strides = array<i32>} : memref<8x128xf32, #tpu.memory_space<vmem>>, vector<1x16xf32>,
          %get3A_622 = arith.constant 0 : i32
          %get3A_623 = arith.constant 0 : i32
          %get3A_624 = tpu.memref_slice %run_scoped3A_8[%rem3A_412, %get3A_622, %get3A_623] : memref<2x8x16xi32, #tpu.memory_space<vmem>> -> memref<1x8x16xi32, #tpu.memory_space<vmem>>
          %get3A_625 = tpu.memref_squeeze %get3A_624 : memref<1x8x16xi32, #tpu.memory_space<vmem>> -> memref<8x16xi32, #tpu.memory_space<vmem>>
          %get3A_626 = arith.index_cast %add3A_581 : i32 to index
          %get3A_627 = arith.constant 0 : index
          %get3A_628 = tpu.vector_load %get3A_625[%get3A_626, %get3A_627] {strides = array<i32>} : memref<8x16xi32, #tpu.memory_space<vmem>>, vector<1x16xi32>,
          %get3A_629 = vector.shape_cast %get3A_628 : vector<1x16xi32> to vector<16xi32>
          %slice3A_630 = vector.extract_strided_slice %get3A_629 {offsets = [0], sizes = [1], strides = [1]} : vector<16xi32> to vector<1xi32>
          %squeeze3A_631 = vector.extract %slice3A_630[0] : i32 from vector<1xi32>
          %sub3A_632 = arith.subi %squeeze3A_631, %mul3A_427 : i32
          %ge3A_633 = arith.constant 0 : i32
          %ge3A_634 = arith.cmpi sge, %sub3A_632, %ge3A_633 : i32
          %lt3A = arith.constant 2048 : i32
          %lt3A_635 = arith.cmpi slt, %sub3A_632, %lt3A : i32
          %and3A_636 = arith.andi %ge3A_634, %lt3A_635 : i1
          %convert_element_type3A_637 = arith.extui %and3A_636 : i1 to i32
          %cond3A_638 = arith.constant 0 : i32
          %cond3A_639 = arith.cmpi ne, %convert_element_type3A_637, %cond3A_638 : i32
          scf.if %cond3A_639 {
            %jit3A_640 = arith.constant 16 : i32
            %div3A = arith.divsi %sub3A_632, %jit3A_640 : i32
            %sign3A = arith.constant 0 : i32
            %sign3A_641 = arith.cmpi sgt, %sub3A_632, %sign3A : i32
            %sign3A_642 = arith.extui %sign3A_641 : i1 to i32
            %sign3A_643 = arith.constant 0 : i32
            %sign3A_644 = arith.cmpi slt, %sub3A_632, %sign3A_643 : i32
            %sign3A_645 = arith.extui %sign3A_644 : i1 to i32
            %sign3A_646 = arith.subi %sign3A_642, %sign3A_645 : i32
            %sign3A_647 = arith.constant 0 : i32
            %sign3A_648 = arith.cmpi sgt, %jit3A_640, %sign3A_647 : i32
            %sign3A_649 = arith.extui %sign3A_648 : i1 to i32
            %sign3A_650 = arith.constant 0 : i32
            %sign3A_651 = arith.cmpi slt, %jit3A_640, %sign3A_650 : i32
            %sign3A_652 = arith.extui %sign3A_651 : i1 to i32
            %sign3A_653 = arith.subi %sign3A_649, %sign3A_652 : i32
            %ne3A_654 = arith.cmpi ne, %sign3A_646, %sign3A_653 : i32
            %rem3A_655 = arith.remsi %sub3A_632, %jit3A_640 : i32
            %ne3A_656 = arith.constant 0 : i32
            %ne3A_657 = arith.cmpi ne, %rem3A_655, %ne3A_656 : i32
            %and3A_658 = arith.andi %ne3A_654, %ne3A_657 : i1
            %sub3A_659 = arith.constant 1 : i32
            %sub3A_660 = arith.subi %div3A, %sub3A_659 : i32
            %select_n3A_661 = arith.select %and3A_658, %sub3A_660, %div3A : i32
            %mul3A_662 = arith.constant 16 : i32
            %mul3A_663 = arith.muli %select_n3A_661, %mul3A_662 : i32
            %get3A_664 = arith.constant 0 : i32
            %get3A_665 = arith.constant 0 : i32
            %get3A_666 = tpu.memref_slice %run_scoped3A[%rem3A_410, %get3A_664, %get3A_665] : memref<2x8x2048xf32, #tpu.memory_space<vmem>> -> memref<1x8x2048xf32, #tpu.memory_space<vmem>>
            %get3A_667 = tpu.memref_squeeze %get3A_666 : memref<1x8x2048xf32, #tpu.memory_space<vmem>> -> memref<8x2048xf32, #tpu.memory_space<vmem>>
            %get3A_668 = arith.index_cast %add3A_581 : i32 to index
            %get3A_669 = arith.index_cast %mul3A_663 : i32 to index
            %get3A_670 = tpu.vector_load %get3A_667[%get3A_668, %get3A_669] {strides = array<i32>} : memref<8x2048xf32, #tpu.memory_space<vmem>>, vector<1x16xf32>,
            %get3A_671 = vector.shape_cast %get3A_670 : vector<1x16xf32> to vector<16xf32>
            %sub3A_672 = arith.subi %sub3A_632, %mul3A_663 : i32
            %eq3A_673 = vector.broadcast %sub3A_672 : i32 to vector<16xi32>
            %eq3A_674 = arith.cmpi eq, %iota3A, %eq3A_673 : vector<16xi32>
            %select_n3A_675 = arith.select %eq3A_674, %get3A_671, %broadcast_in_dim3A_417 : vector<16xi1>, vector<16xf32>
            %swap3A_676 = arith.constant 0 : i32
            %swap3A_677 = arith.constant 0 : i32
            %swap3A_678 = tpu.memref_slice %run_scoped3A_12[%rem3A_416, %swap3A_676, %swap3A_677] : memref<2x8x128xf32, #tpu.memory_space<vmem>> -> memref<1x8x128xf32, #tpu.memory_space<vmem>>
            %swap3A_679 = tpu.memref_squeeze %swap3A_678 : memref<1x8x128xf32, #tpu.memory_space<vmem>> -> memref<8x128xf32, #tpu.memory_space<vmem>>
            %swap3A_680 = arith.index_cast %add3A_581 : i32 to index
            %swap3A_681 = arith.constant 64 : index
            %swap3A_682 = tpu.vector_load %swap3A_679[%swap3A_680, %swap3A_681] {strides = array<i32>} : memref<8x128xf32, #tpu.memory_space<vmem>>, vector<1x16xf32>,
            %swap3A_683 = vector.shape_cast %swap3A_682 : vector<1x16xf32> to vector<16xf32>
            %swap3A_684 = vector.shape_cast %select_n3A_675 : vector<16xf32> to vector<1x16xf32>
            tpu.vector_store %swap3A_679[%swap3A_680, %swap3A_681], %swap3A_684 {strides = array<i32>} : memref<8x128xf32, #tpu.memory_space<vmem>>, vector<1x16xf32>,
            %jit3A_685 = arith.constant 512 : i32
            %div3A_686 = arith.divsi %sub3A_632, %jit3A_685 : i32
            %sign3A_687 = arith.constant 0 : i32
            %sign3A_688 = arith.cmpi sgt, %sub3A_632, %sign3A_687 : i32
            %sign3A_689 = arith.extui %sign3A_688 : i1 to i32
            %sign3A_690 = arith.constant 0 : i32
            %sign3A_691 = arith.cmpi slt, %sub3A_632, %sign3A_690 : i32
            %sign3A_692 = arith.extui %sign3A_691 : i1 to i32
            %sign3A_693 = arith.subi %sign3A_689, %sign3A_692 : i32
            %sign3A_694 = arith.constant 0 : i32
            %sign3A_695 = arith.cmpi sgt, %jit3A_685, %sign3A_694 : i32
            %sign3A_696 = arith.extui %sign3A_695 : i1 to i32
            %sign3A_697 = arith.constant 0 : i32
            %sign3A_698 = arith.cmpi slt, %jit3A_685, %sign3A_697 : i32
            %sign3A_699 = arith.extui %sign3A_698 : i1 to i32
            %sign3A_700 = arith.subi %sign3A_696, %sign3A_699 : i32
            %ne3A_701 = arith.cmpi ne, %sign3A_693, %sign3A_700 : i32
            %rem3A_702 = arith.remsi %sub3A_632, %jit3A_685 : i32
            %ne3A_703 = arith.constant 0 : i32
            %ne3A_704 = arith.cmpi ne, %rem3A_702, %ne3A_703 : i32
            %and3A_705 = arith.andi %ne3A_701, %ne3A_704 : i1
            %sub3A_706 = arith.constant 1 : i32
            %sub3A_707 = arith.subi %div3A_686, %sub3A_706 : i32
            %select_n3A_708 = arith.select %and3A_705, %sub3A_707, %div3A_686 : i32
            %mul3A_709 = arith.constant 512 : i32
            %mul3A_710 = arith.muli %select_n3A_708, %mul3A_709 : i32
            %sub3A_711 = arith.subi %sub3A_632, %mul3A_710 : i32
            %sub3A_712 = arith.constant 0 : i32
            %sub3A_713 = arith.subi %sub3A_711, %sub3A_712 : i32
            %eq3A_714 = vector.broadcast %sub3A_713 : i32 to vector<16xi32>
            %eq3A_715 = arith.cmpi eq, %iota3A, %eq3A_714 : vector<16xi32>
            %add3A_716 = arith.constant 0 : i32
            %add3A_717 = arith.addi %mul3A_710, %add3A_716 : i32
            %get3A_718 = arith.constant 0 : i32
            %get3A_719 = arith.constant 0 : i32
            %get3A_720 = tpu.memref_slice %run_scoped3A[%rem3A_410, %get3A_718, %get3A_719] : memref<2x8x2048xf32, #tpu.memory_space<vmem>> -> memref<1x8x2048xf32, #tpu.memory_space<vmem>>
            %get3A_721 = tpu.memref_squeeze %get3A_720 : memref<1x8x2048xf32, #tpu.memory_space<vmem>> -> memref<8x2048xf32, #tpu.memory_space<vmem>>
            %get3A_722 = arith.index_cast %add3A_581 : i32 to index
            %get3A_723 = arith.index_cast %add3A_717 : i32 to index
            %get3A_724 = tpu.vector_load %get3A_721[%get3A_722, %get3A_723] {strides = array<i32>} : memref<8x2048xf32, #tpu.memory_space<vmem>>, vector<1x16xf32>,
            %get3A_725 = vector.shape_cast %get3A_724 : vector<1x16xf32> to vector<16xf32>
            %select_n3A_726 = arith.select %eq3A_715, %broadcast_in_dim3A_417, %get3A_725 : vector<16xi1>, vector<16xf32>
            %sub3A_727 = arith.constant 16 : i32
            %sub3A_728 = arith.subi %sub3A_711, %sub3A_727 : i32
            %eq3A_729 = vector.broadcast %sub3A_728 : i32 to vector<16xi32>
            %eq3A_730 = arith.cmpi eq, %iota3A, %eq3A_729 : vector<16xi32>
            %add3A_731 = arith.constant 16 : i32
            %add3A_732 = arith.addi %mul3A_710, %add3A_731 : i32
            %get3A_733 = arith.constant 0 : i32
            %get3A_734 = arith.constant 0 : i32
            %get3A_735 = tpu.memref_slice %run_scoped3A[%rem3A_410, %get3A_733, %get3A_734] : memref<2x8x2048xf32, #tpu.memory_space<vmem>> -> memref<1x8x2048xf32, #tpu.memory_space<vmem>>
            %get3A_736 = tpu.memref_squeeze %get3A_735 : memref<1x8x2048xf32, #tpu.memory_space<vmem>> -> memref<8x2048xf32, #tpu.memory_space<vmem>>
            %get3A_737 = arith.index_cast %add3A_581 : i32 to index
            %get3A_738 = arith.index_cast %add3A_732 : i32 to index
            %get3A_739 = tpu.vector_load %get3A_736[%get3A_737, %get3A_738] {strides = array<i32>} : memref<8x2048xf32, #tpu.memory_space<vmem>>, vector<1x16xf32>,
            %get3A_740 = vector.shape_cast %get3A_739 : vector<1x16xf32> to vector<16xf32>
            %select_n3A_741 = arith.select %eq3A_730, %broadcast_in_dim3A_417, %get3A_740 : vector<16xi1>, vector<16xf32>
            %sub3A_742 = arith.constant 32 : i32
            %sub3A_743 = arith.subi %sub3A_711, %sub3A_742 : i32
            %eq3A_744 = vector.broadcast %sub3A_743 : i32 to vector<16xi32>
            %eq3A_745 = arith.cmpi eq, %iota3A, %eq3A_744 : vector<16xi32>
            %add3A_746 = arith.constant 32 : i32
            %add3A_747 = arith.addi %mul3A_710, %add3A_746 : i32
            %get3A_748 = arith.constant 0 : i32
            %get3A_749 = arith.constant 0 : i32
            %get3A_750 = tpu.memref_slice %run_scoped3A[%rem3A_410, %get3A_748, %get3A_749] : memref<2x8x2048xf32, #tpu.memory_space<vmem>> -> memref<1x8x2048xf32, #tpu.memory_space<vmem>>
            %get3A_751 = tpu.memref_squeeze %get3A_750 : memref<1x8x2048xf32, #tpu.memory_space<vmem>> -> memref<8x2048xf32, #tpu.memory_space<vmem>>
            %get3A_752 = arith.index_cast %add3A_581 : i32 to index
            %get3A_753 = arith.index_cast %add3A_747 : i32 to index
            %get3A_754 = tpu.vector_load %get3A_751[%get3A_752, %get3A_753] {strides = array<i32>} : memref<8x2048xf32, #tpu.memory_space<vmem>>, vector<1x16xf32>,
            %get3A_755 = vector.shape_cast %get3A_754 : vector<1x16xf32> to vector<16xf32>
            %select_n3A_756 = arith.select %eq3A_745, %broadcast_in_dim3A_417, %get3A_755 : vector<16xi1>, vector<16xf32>
            %sub3A_757 = arith.constant 48 : i32
            %sub3A_758 = arith.subi %sub3A_711, %sub3A_757 : i32
            %eq3A_759 = vector.broadcast %sub3A_758 : i32 to vector<16xi32>
            %eq3A_760 = arith.cmpi eq, %iota3A, %eq3A_759 : vector<16xi32>
            %add3A_761 = arith.constant 48 : i32
            %add3A_762 = arith.addi %mul3A_710, %add3A_761 : i32
            %get3A_763 = arith.constant 0 : i32
            %get3A_764 = arith.constant 0 : i32
            %get3A_765 = tpu.memref_slice %run_scoped3A[%rem3A_410, %get3A_763, %get3A_764] : memref<2x8x2048xf32, #tpu.memory_space<vmem>> -> memref<1x8x2048xf32, #tpu.memory_space<vmem>>
            %get3A_766 = tpu.memref_squeeze %get3A_765 : memref<1x8x2048xf32, #tpu.memory_space<vmem>> -> memref<8x2048xf32, #tpu.memory_space<vmem>>
            %get3A_767 = arith.index_cast %add3A_581 : i32 to index
            %get3A_768 = arith.index_cast %add3A_762 : i32 to index
            %get3A_769 = tpu.vector_load %get3A_766[%get3A_767, %get3A_768] {strides = array<i32>} : memref<8x2048xf32, #tpu.memory_space<vmem>>, vector<1x16xf32>,
            %get3A_770 = vector.shape_cast %get3A_769 : vector<1x16xf32> to vector<16xf32>
            %select_n3A_771 = arith.select %eq3A_760, %broadcast_in_dim3A_417, %get3A_770 : vector<16xi1>, vector<16xf32>
            %sub3A_772 = arith.constant 64 : i32
            %sub3A_773 = arith.subi %sub3A_711, %sub3A_772 : i32
            %eq3A_774 = vector.broadcast %sub3A_773 : i32 to vector<16xi32>
            %eq3A_775 = arith.cmpi eq, %iota3A, %eq3A_774 : vector<16xi32>
            %add3A_776 = arith.constant 64 : i32
            %add3A_777 = arith.addi %mul3A_710, %add3A_776 : i32
            %get3A_778 = arith.constant 0 : i32
            %get3A_779 = arith.constant 0 : i32
            %get3A_780 = tpu.memref_slice %run_scoped3A[%rem3A_410, %get3A_778, %get3A_779] : memref<2x8x2048xf32, #tpu.memory_space<vmem>> -> memref<1x8x2048xf32, #tpu.memory_space<vmem>>
            %get3A_781 = tpu.memref_squeeze %get3A_780 : memref<1x8x2048xf32, #tpu.memory_space<vmem>> -> memref<8x2048xf32, #tpu.memory_space<vmem>>
            %get3A_782 = arith.index_cast %add3A_581 : i32 to index
            %get3A_783 = arith.index_cast %add3A_777 : i32 to index
            %get3A_784 = tpu.vector_load %get3A_781[%get3A_782, %get3A_783] {strides = array<i32>} : memref<8x2048xf32, #tpu.memory_space<vmem>>, vector<1x16xf32>,
            %get3A_785 = vector.shape_cast %get3A_784 : vector<1x16xf32> to vector<16xf32>
            %select_n3A_786 = arith.select %eq3A_775, %broadcast_in_dim3A_417, %get3A_785 : vector<16xi1>, vector<16xf32>
            %sub3A_787 = arith.constant 80 : i32
            %sub3A_788 = arith.subi %sub3A_711, %sub3A_787 : i32
            %eq3A_789 = vector.broadcast %sub3A_788 : i32 to vector<16xi32>
            %eq3A_790 = arith.cmpi eq, %iota3A, %eq3A_789 : vector<16xi32>
            %add3A_791 = arith.constant 80 : i32
            %add3A_792 = arith.addi %mul3A_710, %add3A_791 : i32
            %get3A_793 = arith.constant 0 : i32
            %get3A_794 = arith.constant 0 : i32
            %get3A_795 = tpu.memref_slice %run_scoped3A[%rem3A_410, %get3A_793, %get3A_794] : memref<2x8x2048xf32, #tpu.memory_space<vmem>> -> memref<1x8x2048xf32, #tpu.memory_space<vmem>>
            %get3A_796 = tpu.memref_squeeze %get3A_795 : memref<1x8x2048xf32, #tpu.memory_space<vmem>> -> memref<8x2048xf32, #tpu.memory_space<vmem>>
            %get3A_797 = arith.index_cast %add3A_581 : i32 to index
            %get3A_798 = arith.index_cast %add3A_792 : i32 to index
            %get3A_799 = tpu.vector_load %get3A_796[%get3A_797, %get3A_798] {strides = array<i32>} : memref<8x2048xf32, #tpu.memory_space<vmem>>, vector<1x16xf32>,
            %get3A_800 = vector.shape_cast %get3A_799 : vector<1x16xf32> to vector<16xf32>
            %select_n3A_801 = arith.select %eq3A_790, %broadcast_in_dim3A_417, %get3A_800 : vector<16xi1>, vector<16xf32>
            %sub3A_802 = arith.constant 96 : i32
            %sub3A_803 = arith.subi %sub3A_711, %sub3A_802 : i32
            %eq3A_804 = vector.broadcast %sub3A_803 : i32 to vector<16xi32>
            %eq3A_805 = arith.cmpi eq, %iota3A, %eq3A_804 : vector<16xi32>
            %add3A_806 = arith.constant 96 : i32
            %add3A_807 = arith.addi %mul3A_710, %add3A_806 : i32
            %get3A_808 = arith.constant 0 : i32
            %get3A_809 = arith.constant 0 : i32
            %get3A_810 = tpu.memref_slice %run_scoped3A[%rem3A_410, %get3A_808, %get3A_809] : memref<2x8x2048xf32, #tpu.memory_space<vmem>> -> memref<1x8x2048xf32, #tpu.memory_space<vmem>>
            %get3A_811 = tpu.memref_squeeze %get3A_810 : memref<1x8x2048xf32, #tpu.memory_space<vmem>> -> memref<8x2048xf32, #tpu.memory_space<vmem>>
            %get3A_812 = arith.index_cast %add3A_581 : i32 to index
            %get3A_813 = arith.index_cast %add3A_807 : i32 to index
            %get3A_814 = tpu.vector_load %get3A_811[%get3A_812, %get3A_813] {strides = array<i32>} : memref<8x2048xf32, #tpu.memory_space<vmem>>, vector<1x16xf32>,
            %get3A_815 = vector.shape_cast %get3A_814 : vector<1x16xf32> to vector<16xf32>
            %select_n3A_816 = arith.select %eq3A_805, %broadcast_in_dim3A_417, %get3A_815 : vector<16xi1>, vector<16xf32>
            %sub3A_817 = arith.constant 112 : i32
            %sub3A_818 = arith.subi %sub3A_711, %sub3A_817 : i32
            %eq3A_819 = vector.broadcast %sub3A_818 : i32 to vector<16xi32>
            %eq3A_820 = arith.cmpi eq, %iota3A, %eq3A_819 : vector<16xi32>
            %add3A_821 = arith.constant 112 : i32
            %add3A_822 = arith.addi %mul3A_710, %add3A_821 : i32
            %get3A_823 = arith.constant 0 : i32
            %get3A_824 = arith.constant 0 : i32
            %get3A_825 = tpu.memref_slice %run_scoped3A[%rem3A_410, %get3A_823, %get3A_824] : memref<2x8x2048xf32, #tpu.memory_space<vmem>> -> memref<1x8x2048xf32, #tpu.memory_space<vmem>>
            %get3A_826 = tpu.memref_squeeze %get3A_825 : memref<1x8x2048xf32, #tpu.memory_space<vmem>> -> memref<8x2048xf32, #tpu.memory_space<vmem>>
            %get3A_827 = arith.index_cast %add3A_581 : i32 to index
            %get3A_828 = arith.index_cast %add3A_822 : i32 to index
            %get3A_829 = tpu.vector_load %get3A_826[%get3A_827, %get3A_828] {strides = array<i32>} : memref<8x2048xf32, #tpu.memory_space<vmem>>, vector<1x16xf32>,
            %get3A_830 = vector.shape_cast %get3A_829 : vector<1x16xf32> to vector<16xf32>
            %select_n3A_831 = arith.select %eq3A_820, %broadcast_in_dim3A_417, %get3A_830 : vector<16xi1>, vector<16xf32>
            %sub3A_832 = arith.constant 128 : i32
            %sub3A_833 = arith.subi %sub3A_711, %sub3A_832 : i32
            %eq3A_834 = vector.broadcast %sub3A_833 : i32 to vector<16xi32>
            %eq3A_835 = arith.cmpi eq, %iota3A, %eq3A_834 : vector<16xi32>
            %add3A_836 = arith.constant 128 : i32
            %add3A_837 = arith.addi %mul3A_710, %add3A_836 : i32
            %get3A_838 = arith.constant 0 : i32
            %get3A_839 = arith.constant 0 : i32
            %get3A_840 = tpu.memref_slice %run_scoped3A[%rem3A_410, %get3A_838, %get3A_839] : memref<2x8x2048xf32, #tpu.memory_space<vmem>> -> memref<1x8x2048xf32, #tpu.memory_space<vmem>>
            %get3A_841 = tpu.memref_squeeze %get3A_840 : memref<1x8x2048xf32, #tpu.memory_space<vmem>> -> memref<8x2048xf32, #tpu.memory_space<vmem>>
            %get3A_842 = arith.index_cast %add3A_581 : i32 to index
            %get3A_843 = arith.index_cast %add3A_837 : i32 to index
            %get3A_844 = tpu.vector_load %get3A_841[%get3A_842, %get3A_843] {strides = array<i32>} : memref<8x2048xf32, #tpu.memory_space<vmem>>, vector<1x16xf32>,
            %get3A_845 = vector.shape_cast %get3A_844 : vector<1x16xf32> to vector<16xf32>
            %select_n3A_846 = arith.select %eq3A_835, %broadcast_in_dim3A_417, %get3A_845 : vector<16xi1>, vector<16xf32>
            %sub3A_847 = arith.constant 144 : i32
            %sub3A_848 = arith.subi %sub3A_711, %sub3A_847 : i32
            %eq3A_849 = vector.broadcast %sub3A_848 : i32 to vector<16xi32>
            %eq3A_850 = arith.cmpi eq, %iota3A, %eq3A_849 : vector<16xi32>
            %add3A_851 = arith.constant 144 : i32
            %add3A_852 = arith.addi %mul3A_710, %add3A_851 : i32
            %get3A_853 = arith.constant 0 : i32
            %get3A_854 = arith.constant 0 : i32
            %get3A_855 = tpu.memref_slice %run_scoped3A[%rem3A_410, %get3A_853, %get3A_854] : memref<2x8x2048xf32, #tpu.memory_space<vmem>> -> memref<1x8x2048xf32, #tpu.memory_space<vmem>>
            %get3A_856 = tpu.memref_squeeze %get3A_855 : memref<1x8x2048xf32, #tpu.memory_space<vmem>> -> memref<8x2048xf32, #tpu.memory_space<vmem>>
            %get3A_857 = arith.index_cast %add3A_581 : i32 to index
            %get3A_858 = arith.index_cast %add3A_852 : i32 to index
            %get3A_859 = tpu.vector_load %get3A_856[%get3A_857, %get3A_858] {strides = array<i32>} : memref<8x2048xf32, #tpu.memory_space<vmem>>, vector<1x16xf32>,
            %get3A_860 = vector.shape_cast %get3A_859 : vector<1x16xf32> to vector<16xf32>
            %select_n3A_861 = arith.select %eq3A_850, %broadcast_in_dim3A_417, %get3A_860 : vector<16xi1>, vector<16xf32>
            %sub3A_862 = arith.constant 160 : i32
            %sub3A_863 = arith.subi %sub3A_711, %sub3A_862 : i32
            %eq3A_864 = vector.broadcast %sub3A_863 : i32 to vector<16xi32>
            %eq3A_865 = arith.cmpi eq, %iota3A, %eq3A_864 : vector<16xi32>
            %add3A_866 = arith.constant 160 : i32
            %add3A_867 = arith.addi %mul3A_710, %add3A_866 : i32
            %get3A_868 = arith.constant 0 : i32
            %get3A_869 = arith.constant 0 : i32
            %get3A_870 = tpu.memref_slice %run_scoped3A[%rem3A_410, %get3A_868, %get3A_869] : memref<2x8x2048xf32, #tpu.memory_space<vmem>> -> memref<1x8x2048xf32, #tpu.memory_space<vmem>>
            %get3A_871 = tpu.memref_squeeze %get3A_870 : memref<1x8x2048xf32, #tpu.memory_space<vmem>> -> memref<8x2048xf32, #tpu.memory_space<vmem>>
            %get3A_872 = arith.index_cast %add3A_581 : i32 to index
            %get3A_873 = arith.index_cast %add3A_867 : i32 to index
            %get3A_874 = tpu.vector_load %get3A_871[%get3A_872, %get3A_873] {strides = array<i32>} : memref<8x2048xf32, #tpu.memory_space<vmem>>, vector<1x16xf32>,
            %get3A_875 = vector.shape_cast %get3A_874 : vector<1x16xf32> to vector<16xf32>
            %select_n3A_876 = arith.select %eq3A_865, %broadcast_in_dim3A_417, %get3A_875 : vector<16xi1>, vector<16xf32>
            %sub3A_877 = arith.constant 176 : i32
            %sub3A_878 = arith.subi %sub3A_711, %sub3A_877 : i32
            %eq3A_879 = vector.broadcast %sub3A_878 : i32 to vector<16xi32>
            %eq3A_880 = arith.cmpi eq, %iota3A, %eq3A_879 : vector<16xi32>
            %add3A_881 = arith.constant 176 : i32
            %add3A_882 = arith.addi %mul3A_710, %add3A_881 : i32
            %get3A_883 = arith.constant 0 : i32
            %get3A_884 = arith.constant 0 : i32
            %get3A_885 = tpu.memref_slice %run_scoped3A[%rem3A_410, %get3A_883, %get3A_884] : memref<2x8x2048xf32, #tpu.memory_space<vmem>> -> memref<1x8x2048xf32, #tpu.memory_space<vmem>>
            %get3A_886 = tpu.memref_squeeze %get3A_885 : memref<1x8x2048xf32, #tpu.memory_space<vmem>> -> memref<8x2048xf32, #tpu.memory_space<vmem>>
            %get3A_887 = arith.index_cast %add3A_581 : i32 to index
            %get3A_888 = arith.index_cast %add3A_882 : i32 to index
            %get3A_889 = tpu.vector_load %get3A_886[%get3A_887, %get3A_888] {strides = array<i32>} : memref<8x2048xf32, #tpu.memory_space<vmem>>, vector<1x16xf32>,
            %get3A_890 = vector.shape_cast %get3A_889 : vector<1x16xf32> to vector<16xf32>
            %select_n3A_891 = arith.select %eq3A_880, %broadcast_in_dim3A_417, %get3A_890 : vector<16xi1>, vector<16xf32>
            %sub3A_892 = arith.constant 192 : i32
            %sub3A_893 = arith.subi %sub3A_711, %sub3A_892 : i32
            %eq3A_894 = vector.broadcast %sub3A_893 : i32 to vector<16xi32>
            %eq3A_895 = arith.cmpi eq, %iota3A, %eq3A_894 : vector<16xi32>
            %add3A_896 = arith.constant 192 : i32
            %add3A_897 = arith.addi %mul3A_710, %add3A_896 : i32
            %get3A_898 = arith.constant 0 : i32
            %get3A_899 = arith.constant 0 : i32
            %get3A_900 = tpu.memref_slice %run_scoped3A[%rem3A_410, %get3A_898, %get3A_899] : memref<2x8x2048xf32, #tpu.memory_space<vmem>> -> memref<1x8x2048xf32, #tpu.memory_space<vmem>>
            %get3A_901 = tpu.memref_squeeze %get3A_900 : memref<1x8x2048xf32, #tpu.memory_space<vmem>> -> memref<8x2048xf32, #tpu.memory_space<vmem>>
            %get3A_902 = arith.index_cast %add3A_581 : i32 to index
            %get3A_903 = arith.index_cast %add3A_897 : i32 to index
            %get3A_904 = tpu.vector_load %get3A_901[%get3A_902, %get3A_903] {strides = array<i32>} : memref<8x2048xf32, #tpu.memory_space<vmem>>, vector<1x16xf32>,
            %get3A_905 = vector.shape_cast %get3A_904 : vector<1x16xf32> to vector<16xf32>
            %select_n3A_906 = arith.select %eq3A_895, %broadcast_in_dim3A_417, %get3A_905 : vector<16xi1>, vector<16xf32>
            %sub3A_907 = arith.constant 208 : i32
            %sub3A_908 = arith.subi %sub3A_711, %sub3A_907 : i32
            %eq3A_909 = vector.broadcast %sub3A_908 : i32 to vector<16xi32>
            %eq3A_910 = arith.cmpi eq, %iota3A, %eq3A_909 : vector<16xi32>
            %add3A_911 = arith.constant 208 : i32
            %add3A_912 = arith.addi %mul3A_710, %add3A_911 : i32
            %get3A_913 = arith.constant 0 : i32
            %get3A_914 = arith.constant 0 : i32
            %get3A_915 = tpu.memref_slice %run_scoped3A[%rem3A_410, %get3A_913, %get3A_914] : memref<2x8x2048xf32, #tpu.memory_space<vmem>> -> memref<1x8x2048xf32, #tpu.memory_space<vmem>>
            %get3A_916 = tpu.memref_squeeze %get3A_915 : memref<1x8x2048xf32, #tpu.memory_space<vmem>> -> memref<8x2048xf32, #tpu.memory_space<vmem>>
            %get3A_917 = arith.index_cast %add3A_581 : i32 to index
            %get3A_918 = arith.index_cast %add3A_912 : i32 to index
            %get3A_919 = tpu.vector_load %get3A_916[%get3A_917, %get3A_918] {strides = array<i32>} : memref<8x2048xf32, #tpu.memory_space<vmem>>, vector<1x16xf32>,
            %get3A_920 = vector.shape_cast %get3A_919 : vector<1x16xf32> to vector<16xf32>
            %select_n3A_921 = arith.select %eq3A_910, %broadcast_in_dim3A_417, %get3A_920 : vector<16xi1>, vector<16xf32>
            %sub3A_922 = arith.constant 224 : i32
            %sub3A_923 = arith.subi %sub3A_711, %sub3A_922 : i32
            %eq3A_924 = vector.broadcast %sub3A_923 : i32 to vector<16xi32>
            %eq3A_925 = arith.cmpi eq, %iota3A, %eq3A_924 : vector<16xi32>
            %add3A_926 = arith.constant 224 : i32
            %add3A_927 = arith.addi %mul3A_710, %add3A_926 : i32
            %get3A_928 = arith.constant 0 : i32
            %get3A_929 = arith.constant 0 : i32
            %get3A_930 = tpu.memref_slice %run_scoped3A[%rem3A_410, %get3A_928, %get3A_929] : memref<2x8x2048xf32, #tpu.memory_space<vmem>> -> memref<1x8x2048xf32, #tpu.memory_space<vmem>>
            %get3A_931 = tpu.memref_squeeze %get3A_930 : memref<1x8x2048xf32, #tpu.memory_space<vmem>> -> memref<8x2048xf32, #tpu.memory_space<vmem>>
            %get3A_932 = arith.index_cast %add3A_581 : i32 to index
            %get3A_933 = arith.index_cast %add3A_927 : i32 to index
            %get3A_934 = tpu.vector_load %get3A_931[%get3A_932, %get3A_933] {strides = array<i32>} : memref<8x2048xf32, #tpu.memory_space<vmem>>, vector<1x16xf32>,
            %get3A_935 = vector.shape_cast %get3A_934 : vector<1x16xf32> to vector<16xf32>
            %select_n3A_936 = arith.select %eq3A_925, %broadcast_in_dim3A_417, %get3A_935 : vector<16xi1>, vector<16xf32>
            %sub3A_937 = arith.constant 240 : i32
            %sub3A_938 = arith.subi %sub3A_711, %sub3A_937 : i32
            %eq3A_939 = vector.broadcast %sub3A_938 : i32 to vector<16xi32>
            %eq3A_940 = arith.cmpi eq, %iota3A, %eq3A_939 : vector<16xi32>
            %add3A_941 = arith.constant 240 : i32
            %add3A_942 = arith.addi %mul3A_710, %add3A_941 : i32
            %get3A_943 = arith.constant 0 : i32
            %get3A_944 = arith.constant 0 : i32
            %get3A_945 = tpu.memref_slice %run_scoped3A[%rem3A_410, %get3A_943, %get3A_944] : memref<2x8x2048xf32, #tpu.memory_space<vmem>> -> memref<1x8x2048xf32, #tpu.memory_space<vmem>>
            %get3A_946 = tpu.memref_squeeze %get3A_945 : memref<1x8x2048xf32, #tpu.memory_space<vmem>> -> memref<8x2048xf32, #tpu.memory_space<vmem>>
            %get3A_947 = arith.index_cast %add3A_581 : i32 to index
            %get3A_948 = arith.index_cast %add3A_942 : i32 to index
            %get3A_949 = tpu.vector_load %get3A_946[%get3A_947, %get3A_948] {strides = array<i32>} : memref<8x2048xf32, #tpu.memory_space<vmem>>, vector<1x16xf32>,
            %get3A_950 = vector.shape_cast %get3A_949 : vector<1x16xf32> to vector<16xf32>
            %select_n3A_951 = arith.select %eq3A_940, %broadcast_in_dim3A_417, %get3A_950 : vector<16xi1>, vector<16xf32>
            %sub3A_952 = arith.constant 256 : i32
            %sub3A_953 = arith.subi %sub3A_711, %sub3A_952 : i32
            %eq3A_954 = vector.broadcast %sub3A_953 : i32 to vector<16xi32>
            %eq3A_955 = arith.cmpi eq, %iota3A, %eq3A_954 : vector<16xi32>
            %add3A_956 = arith.constant 256 : i32
            %add3A_957 = arith.addi %mul3A_710, %add3A_956 : i32
            %get3A_958 = arith.constant 0 : i32
            %get3A_959 = arith.constant 0 : i32
            %get3A_960 = tpu.memref_slice %run_scoped3A[%rem3A_410, %get3A_958, %get3A_959] : memref<2x8x2048xf32, #tpu.memory_space<vmem>> -> memref<1x8x2048xf32, #tpu.memory_space<vmem>>
            %get3A_961 = tpu.memref_squeeze %get3A_960 : memref<1x8x2048xf32, #tpu.memory_space<vmem>> -> memref<8x2048xf32, #tpu.memory_space<vmem>>
            %get3A_962 = arith.index_cast %add3A_581 : i32 to index
            %get3A_963 = arith.index_cast %add3A_957 : i32 to index
            %get3A_964 = tpu.vector_load %get3A_961[%get3A_962, %get3A_963] {strides = array<i32>} : memref<8x2048xf32, #tpu.memory_space<vmem>>, vector<1x16xf32>,
            %get3A_965 = vector.shape_cast %get3A_964 : vector<1x16xf32> to vector<16xf32>
            %select_n3A_966 = arith.select %eq3A_955, %broadcast_in_dim3A_417, %get3A_965 : vector<16xi1>, vector<16xf32>
            %sub3A_967 = arith.constant 272 : i32
            %sub3A_968 = arith.subi %sub3A_711, %sub3A_967 : i32
            %eq3A_969 = vector.broadcast %sub3A_968 : i32 to vector<16xi32>
            %eq3A_970 = arith.cmpi eq, %iota3A, %eq3A_969 : vector<16xi32>
            %add3A_971 = arith.constant 272 : i32
            %add3A_972 = arith.addi %mul3A_710, %add3A_971 : i32
            %get3A_973 = arith.constant 0 : i32
            %get3A_974 = arith.constant 0 : i32
            %get3A_975 = tpu.memref_slice %run_scoped3A[%rem3A_410, %get3A_973, %get3A_974] : memref<2x8x2048xf32, #tpu.memory_space<vmem>> -> memref<1x8x2048xf32, #tpu.memory_space<vmem>>
            %get3A_976 = tpu.memref_squeeze %get3A_975 : memref<1x8x2048xf32, #tpu.memory_space<vmem>> -> memref<8x2048xf32, #tpu.memory_space<vmem>>
            %get3A_977 = arith.index_cast %add3A_581 : i32 to index
            %get3A_978 = arith.index_cast %add3A_972 : i32 to index
            %get3A_979 = tpu.vector_load %get3A_976[%get3A_977, %get3A_978] {strides = array<i32>} : memref<8x2048xf32, #tpu.memory_space<vmem>>, vector<1x16xf32>,
            %get3A_980 = vector.shape_cast %get3A_979 : vector<1x16xf32> to vector<16xf32>
            %select_n3A_981 = arith.select %eq3A_970, %broadcast_in_dim3A_417, %get3A_980 : vector<16xi1>, vector<16xf32>
            %sub3A_982 = arith.constant 288 : i32
            %sub3A_983 = arith.subi %sub3A_711, %sub3A_982 : i32
            %eq3A_984 = vector.broadcast %sub3A_983 : i32 to vector<16xi32>
            %eq3A_985 = arith.cmpi eq, %iota3A, %eq3A_984 : vector<16xi32>
            %add3A_986 = arith.constant 288 : i32
            %add3A_987 = arith.addi %mul3A_710, %add3A_986 : i32
            %get3A_988 = arith.constant 0 : i32
            %get3A_989 = arith.constant 0 : i32
            %get3A_990 = tpu.memref_slice %run_scoped3A[%rem3A_410, %get3A_988, %get3A_989] : memref<2x8x2048xf32, #tpu.memory_space<vmem>> -> memref<1x8x2048xf32, #tpu.memory_space<vmem>>
            %get3A_991 = tpu.memref_squeeze %get3A_990 : memref<1x8x2048xf32, #tpu.memory_space<vmem>> -> memref<8x2048xf32, #tpu.memory_space<vmem>>
            %get3A_992 = arith.index_cast %add3A_581 : i32 to index
            %get3A_993 = arith.index_cast %add3A_987 : i32 to index
            %get3A_994 = tpu.vector_load %get3A_991[%get3A_992, %get3A_993] {strides = array<i32>} : memref<8x2048xf32, #tpu.memory_space<vmem>>, vector<1x16xf32>,
            %get3A_995 = vector.shape_cast %get3A_994 : vector<1x16xf32> to vector<16xf32>
            %select_n3A_996 = arith.select %eq3A_985, %broadcast_in_dim3A_417, %get3A_995 : vector<16xi1>, vector<16xf32>
            %sub3A_997 = arith.constant 304 : i32
            %sub3A_998 = arith.subi %sub3A_711, %sub3A_997 : i32
            %eq3A_999 = vector.broadcast %sub3A_998 : i32 to vector<16xi32>
            %eq3A_1000 = arith.cmpi eq, %iota3A, %eq3A_999 : vector<16xi32>
            %add3A_1001 = arith.constant 304 : i32
            %add3A_1002 = arith.addi %mul3A_710, %add3A_1001 : i32
            %get3A_1003 = arith.constant 0 : i32
            %get3A_1004 = arith.constant 0 : i32
            %get3A_1005 = tpu.memref_slice %run_scoped3A[%rem3A_410, %get3A_1003, %get3A_1004] : memref<2x8x2048xf32, #tpu.memory_space<vmem>> -> memref<1x8x2048xf32, #tpu.memory_space<vmem>>
            %get3A_1006 = tpu.memref_squeeze %get3A_1005 : memref<1x8x2048xf32, #tpu.memory_space<vmem>> -> memref<8x2048xf32, #tpu.memory_space<vmem>>
            %get3A_1007 = arith.index_cast %add3A_581 : i32 to index
            %get3A_1008 = arith.index_cast %add3A_1002 : i32 to index
            %get3A_1009 = tpu.vector_load %get3A_1006[%get3A_1007, %get3A_1008] {strides = array<i32>} : memref<8x2048xf32, #tpu.memory_space<vmem>>, vector<1x16xf32>,
            %get3A_1010 = vector.shape_cast %get3A_1009 : vector<1x16xf32> to vector<16xf32>
            %select_n3A_1011 = arith.select %eq3A_1000, %broadcast_in_dim3A_417, %get3A_1010 : vector<16xi1>, vector<16xf32>
            %sub3A_1012 = arith.constant 320 : i32
            %sub3A_1013 = arith.subi %sub3A_711, %sub3A_1012 : i32
            %eq3A_1014 = vector.broadcast %sub3A_1013 : i32 to vector<16xi32>
            %eq3A_1015 = arith.cmpi eq, %iota3A, %eq3A_1014 : vector<16xi32>
            %add3A_1016 = arith.constant 320 : i32
            %add3A_1017 = arith.addi %mul3A_710, %add3A_1016 : i32
            %get3A_1018 = arith.constant 0 : i32
            %get3A_1019 = arith.constant 0 : i32
            %get3A_1020 = tpu.memref_slice %run_scoped3A[%rem3A_410, %get3A_1018, %get3A_1019] : memref<2x8x2048xf32, #tpu.memory_space<vmem>> -> memref<1x8x2048xf32, #tpu.memory_space<vmem>>
            %get3A_1021 = tpu.memref_squeeze %get3A_1020 : memref<1x8x2048xf32, #tpu.memory_space<vmem>> -> memref<8x2048xf32, #tpu.memory_space<vmem>>
            %get3A_1022 = arith.index_cast %add3A_581 : i32 to index
            %get3A_1023 = arith.index_cast %add3A_1017 : i32 to index
            %get3A_1024 = tpu.vector_load %get3A_1021[%get3A_1022, %get3A_1023] {strides = array<i32>} : memref<8x2048xf32, #tpu.memory_space<vmem>>, vector<1x16xf32>,
            %get3A_1025 = vector.shape_cast %get3A_1024 : vector<1x16xf32> to vector<16xf32>
            %select_n3A_1026 = arith.select %eq3A_1015, %broadcast_in_dim3A_417, %get3A_1025 : vector<16xi1>, vector<16xf32>
            %sub3A_1027 = arith.constant 336 : i32
            %sub3A_1028 = arith.subi %sub3A_711, %sub3A_1027 : i32
            %eq3A_1029 = vector.broadcast %sub3A_1028 : i32 to vector<16xi32>
            %eq3A_1030 = arith.cmpi eq, %iota3A, %eq3A_1029 : vector<16xi32>
            %add3A_1031 = arith.constant 336 : i32
            %add3A_1032 = arith.addi %mul3A_710, %add3A_1031 : i32
            %get3A_1033 = arith.constant 0 : i32
            %get3A_1034 = arith.constant 0 : i32
            %get3A_1035 = tpu.memref_slice %run_scoped3A[%rem3A_410, %get3A_1033, %get3A_1034] : memref<2x8x2048xf32, #tpu.memory_space<vmem>> -> memref<1x8x2048xf32, #tpu.memory_space<vmem>>
            %get3A_1036 = tpu.memref_squeeze %get3A_1035 : memref<1x8x2048xf32, #tpu.memory_space<vmem>> -> memref<8x2048xf32, #tpu.memory_space<vmem>>
            %get3A_1037 = arith.index_cast %add3A_581 : i32 to index
            %get3A_1038 = arith.index_cast %add3A_1032 : i32 to index
            %get3A_1039 = tpu.vector_load %get3A_1036[%get3A_1037, %get3A_1038] {strides = array<i32>} : memref<8x2048xf32, #tpu.memory_space<vmem>>, vector<1x16xf32>,
            %get3A_1040 = vector.shape_cast %get3A_1039 : vector<1x16xf32> to vector<16xf32>
            %select_n3A_1041 = arith.select %eq3A_1030, %broadcast_in_dim3A_417, %get3A_1040 : vector<16xi1>, vector<16xf32>
            %sub3A_1042 = arith.constant 352 : i32
            %sub3A_1043 = arith.subi %sub3A_711, %sub3A_1042 : i32
            %eq3A_1044 = vector.broadcast %sub3A_1043 : i32 to vector<16xi32>
            %eq3A_1045 = arith.cmpi eq, %iota3A, %eq3A_1044 : vector<16xi32>
            %add3A_1046 = arith.constant 352 : i32
            %add3A_1047 = arith.addi %mul3A_710, %add3A_1046 : i32
            %get3A_1048 = arith.constant 0 : i32
            %get3A_1049 = arith.constant 0 : i32
            %get3A_1050 = tpu.memref_slice %run_scoped3A[%rem3A_410, %get3A_1048, %get3A_1049] : memref<2x8x2048xf32, #tpu.memory_space<vmem>> -> memref<1x8x2048xf32, #tpu.memory_space<vmem>>
            %get3A_1051 = tpu.memref_squeeze %get3A_1050 : memref<1x8x2048xf32, #tpu.memory_space<vmem>> -> memref<8x2048xf32, #tpu.memory_space<vmem>>
            %get3A_1052 = arith.index_cast %add3A_581 : i32 to index
            %get3A_1053 = arith.index_cast %add3A_1047 : i32 to index
            %get3A_1054 = tpu.vector_load %get3A_1051[%get3A_1052, %get3A_1053] {strides = array<i32>} : memref<8x2048xf32, #tpu.memory_space<vmem>>, vector<1x16xf32>,
            %get3A_1055 = vector.shape_cast %get3A_1054 : vector<1x16xf32> to vector<16xf32>
            %select_n3A_1056 = arith.select %eq3A_1045, %broadcast_in_dim3A_417, %get3A_1055 : vector<16xi1>, vector<16xf32>
            %sub3A_1057 = arith.constant 368 : i32
            %sub3A_1058 = arith.subi %sub3A_711, %sub3A_1057 : i32
            %eq3A_1059 = vector.broadcast %sub3A_1058 : i32 to vector<16xi32>
            %eq3A_1060 = arith.cmpi eq, %iota3A, %eq3A_1059 : vector<16xi32>
            %add3A_1061 = arith.constant 368 : i32
            %add3A_1062 = arith.addi %mul3A_710, %add3A_1061 : i32
            %get3A_1063 = arith.constant 0 : i32
            %get3A_1064 = arith.constant 0 : i32
            %get3A_1065 = tpu.memref_slice %run_scoped3A[%rem3A_410, %get3A_1063, %get3A_1064] : memref<2x8x2048xf32, #tpu.memory_space<vmem>> -> memref<1x8x2048xf32, #tpu.memory_space<vmem>>
            %get3A_1066 = tpu.memref_squeeze %get3A_1065 : memref<1x8x2048xf32, #tpu.memory_space<vmem>> -> memref<8x2048xf32, #tpu.memory_space<vmem>>
            %get3A_1067 = arith.index_cast %add3A_581 : i32 to index
            %get3A_1068 = arith.index_cast %add3A_1062 : i32 to index
            %get3A_1069 = tpu.vector_load %get3A_1066[%get3A_1067, %get3A_1068] {strides = array<i32>} : memref<8x2048xf32, #tpu.memory_space<vmem>>, vector<1x16xf32>,
            %get3A_1070 = vector.shape_cast %get3A_1069 : vector<1x16xf32> to vector<16xf32>
            %select_n3A_1071 = arith.select %eq3A_1060, %broadcast_in_dim3A_417, %get3A_1070 : vector<16xi1>, vector<16xf32>
            %sub3A_1072 = arith.constant 384 : i32
            %sub3A_1073 = arith.subi %sub3A_711, %sub3A_1072 : i32
            %eq3A_1074 = vector.broadcast %sub3A_1073 : i32 to vector<16xi32>
            %eq3A_1075 = arith.cmpi eq, %iota3A, %eq3A_1074 : vector<16xi32>
            %add3A_1076 = arith.constant 384 : i32
            %add3A_1077 = arith.addi %mul3A_710, %add3A_1076 : i32
            %get3A_1078 = arith.constant 0 : i32
            %get3A_1079 = arith.constant 0 : i32
            %get3A_1080 = tpu.memref_slice %run_scoped3A[%rem3A_410, %get3A_1078, %get3A_1079] : memref<2x8x2048xf32, #tpu.memory_space<vmem>> -> memref<1x8x2048xf32, #tpu.memory_space<vmem>>
            %get3A_1081 = tpu.memref_squeeze %get3A_1080 : memref<1x8x2048xf32, #tpu.memory_space<vmem>> -> memref<8x2048xf32, #tpu.memory_space<vmem>>
            %get3A_1082 = arith.index_cast %add3A_581 : i32 to index
            %get3A_1083 = arith.index_cast %add3A_1077 : i32 to index
            %get3A_1084 = tpu.vector_load %get3A_1081[%get3A_1082, %get3A_1083] {strides = array<i32>} : memref<8x2048xf32, #tpu.memory_space<vmem>>, vector<1x16xf32>,
            %get3A_1085 = vector.shape_cast %get3A_1084 : vector<1x16xf32> to vector<16xf32>
            %select_n3A_1086 = arith.select %eq3A_1075, %broadcast_in_dim3A_417, %get3A_1085 : vector<16xi1>, vector<16xf32>
            %sub3A_1087 = arith.constant 400 : i32
            %sub3A_1088 = arith.subi %sub3A_711, %sub3A_1087 : i32
            %eq3A_1089 = vector.broadcast %sub3A_1088 : i32 to vector<16xi32>
            %eq3A_1090 = arith.cmpi eq, %iota3A, %eq3A_1089 : vector<16xi32>
            %add3A_1091 = arith.constant 400 : i32
            %add3A_1092 = arith.addi %mul3A_710, %add3A_1091 : i32
            %get3A_1093 = arith.constant 0 : i32
            %get3A_1094 = arith.constant 0 : i32
            %get3A_1095 = tpu.memref_slice %run_scoped3A[%rem3A_410, %get3A_1093, %get3A_1094] : memref<2x8x2048xf32, #tpu.memory_space<vmem>> -> memref<1x8x2048xf32, #tpu.memory_space<vmem>>
            %get3A_1096 = tpu.memref_squeeze %get3A_1095 : memref<1x8x2048xf32, #tpu.memory_space<vmem>> -> memref<8x2048xf32, #tpu.memory_space<vmem>>
            %get3A_1097 = arith.index_cast %add3A_581 : i32 to index
            %get3A_1098 = arith.index_cast %add3A_1092 : i32 to index
            %get3A_1099 = tpu.vector_load %get3A_1096[%get3A_1097, %get3A_1098] {strides = array<i32>} : memref<8x2048xf32, #tpu.memory_space<vmem>>, vector<1x16xf32>,
            %get3A_1100 = vector.shape_cast %get3A_1099 : vector<1x16xf32> to vector<16xf32>
            %select_n3A_1101 = arith.select %eq3A_1090, %broadcast_in_dim3A_417, %get3A_1100 : vector<16xi1>, vector<16xf32>
            %sub3A_1102 = arith.constant 416 : i32
            %sub3A_1103 = arith.subi %sub3A_711, %sub3A_1102 : i32
            %eq3A_1104 = vector.broadcast %sub3A_1103 : i32 to vector<16xi32>
            %eq3A_1105 = arith.cmpi eq, %iota3A, %eq3A_1104 : vector<16xi32>
            %add3A_1106 = arith.constant 416 : i32
            %add3A_1107 = arith.addi %mul3A_710, %add3A_1106 : i32
            %get3A_1108 = arith.constant 0 : i32
            %get3A_1109 = arith.constant 0 : i32
            %get3A_1110 = tpu.memref_slice %run_scoped3A[%rem3A_410, %get3A_1108, %get3A_1109] : memref<2x8x2048xf32, #tpu.memory_space<vmem>> -> memref<1x8x2048xf32, #tpu.memory_space<vmem>>
            %get3A_1111 = tpu.memref_squeeze %get3A_1110 : memref<1x8x2048xf32, #tpu.memory_space<vmem>> -> memref<8x2048xf32, #tpu.memory_space<vmem>>
            %get3A_1112 = arith.index_cast %add3A_581 : i32 to index
            %get3A_1113 = arith.index_cast %add3A_1107 : i32 to index
            %get3A_1114 = tpu.vector_load %get3A_1111[%get3A_1112, %get3A_1113] {strides = array<i32>} : memref<8x2048xf32, #tpu.memory_space<vmem>>, vector<1x16xf32>,
            %get3A_1115 = vector.shape_cast %get3A_1114 : vector<1x16xf32> to vector<16xf32>
            %select_n3A_1116 = arith.select %eq3A_1105, %broadcast_in_dim3A_417, %get3A_1115 : vector<16xi1>, vector<16xf32>
            %sub3A_1117 = arith.constant 432 : i32
            %sub3A_1118 = arith.subi %sub3A_711, %sub3A_1117 : i32
            %eq3A_1119 = vector.broadcast %sub3A_1118 : i32 to vector<16xi32>
            %eq3A_1120 = arith.cmpi eq, %iota3A, %eq3A_1119 : vector<16xi32>
            %add3A_1121 = arith.constant 432 : i32
            %add3A_1122 = arith.addi %mul3A_710, %add3A_1121 : i32
            %get3A_1123 = arith.constant 0 : i32
            %get3A_1124 = arith.constant 0 : i32
            %get3A_1125 = tpu.memref_slice %run_scoped3A[%rem3A_410, %get3A_1123, %get3A_1124] : memref<2x8x2048xf32, #tpu.memory_space<vmem>> -> memref<1x8x2048xf32, #tpu.memory_space<vmem>>
            %get3A_1126 = tpu.memref_squeeze %get3A_1125 : memref<1x8x2048xf32, #tpu.memory_space<vmem>> -> memref<8x2048xf32, #tpu.memory_space<vmem>>
            %get3A_1127 = arith.index_cast %add3A_581 : i32 to index
            %get3A_1128 = arith.index_cast %add3A_1122 : i32 to index
            %get3A_1129 = tpu.vector_load %get3A_1126[%get3A_1127, %get3A_1128] {strides = array<i32>} : memref<8x2048xf32, #tpu.memory_space<vmem>>, vector<1x16xf32>,
            %get3A_1130 = vector.shape_cast %get3A_1129 : vector<1x16xf32> to vector<16xf32>
            %select_n3A_1131 = arith.select %eq3A_1120, %broadcast_in_dim3A_417, %get3A_1130 : vector<16xi1>, vector<16xf32>
            %sub3A_1132 = arith.constant 448 : i32
            %sub3A_1133 = arith.subi %sub3A_711, %sub3A_1132 : i32
            %eq3A_1134 = vector.broadcast %sub3A_1133 : i32 to vector<16xi32>
            %eq3A_1135 = arith.cmpi eq, %iota3A, %eq3A_1134 : vector<16xi32>
            %add3A_1136 = arith.constant 448 : i32
            %add3A_1137 = arith.addi %mul3A_710, %add3A_1136 : i32
            %get3A_1138 = arith.constant 0 : i32
            %get3A_1139 = arith.constant 0 : i32
            %get3A_1140 = tpu.memref_slice %run_scoped3A[%rem3A_410, %get3A_1138, %get3A_1139] : memref<2x8x2048xf32, #tpu.memory_space<vmem>> -> memref<1x8x2048xf32, #tpu.memory_space<vmem>>
            %get3A_1141 = tpu.memref_squeeze %get3A_1140 : memref<1x8x2048xf32, #tpu.memory_space<vmem>> -> memref<8x2048xf32, #tpu.memory_space<vmem>>
            %get3A_1142 = arith.index_cast %add3A_581 : i32 to index
            %get3A_1143 = arith.index_cast %add3A_1137 : i32 to index
            %get3A_1144 = tpu.vector_load %get3A_1141[%get3A_1142, %get3A_1143] {strides = array<i32>} : memref<8x2048xf32, #tpu.memory_space<vmem>>, vector<1x16xf32>,
            %get3A_1145 = vector.shape_cast %get3A_1144 : vector<1x16xf32> to vector<16xf32>
            %select_n3A_1146 = arith.select %eq3A_1135, %broadcast_in_dim3A_417, %get3A_1145 : vector<16xi1>, vector<16xf32>
            %sub3A_1147 = arith.constant 464 : i32
            %sub3A_1148 = arith.subi %sub3A_711, %sub3A_1147 : i32
            %eq3A_1149 = vector.broadcast %sub3A_1148 : i32 to vector<16xi32>
            %eq3A_1150 = arith.cmpi eq, %iota3A, %eq3A_1149 : vector<16xi32>
            %add3A_1151 = arith.constant 464 : i32
            %add3A_1152 = arith.addi %mul3A_710, %add3A_1151 : i32
            %get3A_1153 = arith.constant 0 : i32
            %get3A_1154 = arith.constant 0 : i32
            %get3A_1155 = tpu.memref_slice %run_scoped3A[%rem3A_410, %get3A_1153, %get3A_1154] : memref<2x8x2048xf32, #tpu.memory_space<vmem>> -> memref<1x8x2048xf32, #tpu.memory_space<vmem>>
            %get3A_1156 = tpu.memref_squeeze %get3A_1155 : memref<1x8x2048xf32, #tpu.memory_space<vmem>> -> memref<8x2048xf32, #tpu.memory_space<vmem>>
            %get3A_1157 = arith.index_cast %add3A_581 : i32 to index
            %get3A_1158 = arith.index_cast %add3A_1152 : i32 to index
            %get3A_1159 = tpu.vector_load %get3A_1156[%get3A_1157, %get3A_1158] {strides = array<i32>} : memref<8x2048xf32, #tpu.memory_space<vmem>>, vector<1x16xf32>,
            %get3A_1160 = vector.shape_cast %get3A_1159 : vector<1x16xf32> to vector<16xf32>
            %select_n3A_1161 = arith.select %eq3A_1150, %broadcast_in_dim3A_417, %get3A_1160 : vector<16xi1>, vector<16xf32>
            %sub3A_1162 = arith.constant 480 : i32
            %sub3A_1163 = arith.subi %sub3A_711, %sub3A_1162 : i32
            %eq3A_1164 = vector.broadcast %sub3A_1163 : i32 to vector<16xi32>
            %eq3A_1165 = arith.cmpi eq, %iota3A, %eq3A_1164 : vector<16xi32>
            %add3A_1166 = arith.constant 480 : i32
            %add3A_1167 = arith.addi %mul3A_710, %add3A_1166 : i32
            %get3A_1168 = arith.constant 0 : i32
            %get3A_1169 = arith.constant 0 : i32
            %get3A_1170 = tpu.memref_slice %run_scoped3A[%rem3A_410, %get3A_1168, %get3A_1169] : memref<2x8x2048xf32, #tpu.memory_space<vmem>> -> memref<1x8x2048xf32, #tpu.memory_space<vmem>>
            %get3A_1171 = tpu.memref_squeeze %get3A_1170 : memref<1x8x2048xf32, #tpu.memory_space<vmem>> -> memref<8x2048xf32, #tpu.memory_space<vmem>>
            %get3A_1172 = arith.index_cast %add3A_581 : i32 to index
            %get3A_1173 = arith.index_cast %add3A_1167 : i32 to index
            %get3A_1174 = tpu.vector_load %get3A_1171[%get3A_1172, %get3A_1173] {strides = array<i32>} : memref<8x2048xf32, #tpu.memory_space<vmem>>, vector<1x16xf32>,
            %get3A_1175 = vector.shape_cast %get3A_1174 : vector<1x16xf32> to vector<16xf32>
            %select_n3A_1176 = arith.select %eq3A_1165, %broadcast_in_dim3A_417, %get3A_1175 : vector<16xi1>, vector<16xf32>
            %sub3A_1177 = arith.constant 496 : i32
            %sub3A_1178 = arith.subi %sub3A_711, %sub3A_1177 : i32
            %eq3A_1179 = vector.broadcast %sub3A_1178 : i32 to vector<16xi32>
            %eq3A_1180 = arith.cmpi eq, %iota3A, %eq3A_1179 : vector<16xi32>
            %add3A_1181 = arith.constant 496 : i32
            %add3A_1182 = arith.addi %mul3A_710, %add3A_1181 : i32
            %get3A_1183 = arith.constant 0 : i32
            %get3A_1184 = arith.constant 0 : i32
            %get3A_1185 = tpu.memref_slice %run_scoped3A[%rem3A_410, %get3A_1183, %get3A_1184] : memref<2x8x2048xf32, #tpu.memory_space<vmem>> -> memref<1x8x2048xf32, #tpu.memory_space<vmem>>
            %get3A_1186 = tpu.memref_squeeze %get3A_1185 : memref<1x8x2048xf32, #tpu.memory_space<vmem>> -> memref<8x2048xf32, #tpu.memory_space<vmem>>
            %get3A_1187 = arith.index_cast %add3A_581 : i32 to index
            %get3A_1188 = arith.index_cast %add3A_1182 : i32 to index
            %get3A_1189 = tpu.vector_load %get3A_1186[%get3A_1187, %get3A_1188] {strides = array<i32>} : memref<8x2048xf32, #tpu.memory_space<vmem>>, vector<1x16xf32>,
            %get3A_1190 = vector.shape_cast %get3A_1189 : vector<1x16xf32> to vector<16xf32>
            %select_n3A_1191 = arith.select %eq3A_1180, %broadcast_in_dim3A_417, %get3A_1190 : vector<16xi1>, vector<16xf32>
            %max3A = arith.maximumf %select_n3A_726, %select_n3A_741 : vector<16xf32>
            %max3A_1192 = arith.maximumf %max3A, %select_n3A_756 : vector<16xf32>
            %max3A_1193 = arith.maximumf %max3A_1192, %select_n3A_771 : vector<16xf32>
            %max3A_1194 = arith.maximumf %max3A_1193, %select_n3A_786 : vector<16xf32>
            %max3A_1195 = arith.maximumf %max3A_1194, %select_n3A_801 : vector<16xf32>
            %max3A_1196 = arith.maximumf %max3A_1195, %select_n3A_816 : vector<16xf32>
            %max3A_1197 = arith.maximumf %max3A_1196, %select_n3A_831 : vector<16xf32>
            %max3A_1198 = arith.maximumf %max3A_1197, %select_n3A_846 : vector<16xf32>
            %max3A_1199 = arith.maximumf %max3A_1198, %select_n3A_861 : vector<16xf32>
            %max3A_1200 = arith.maximumf %max3A_1199, %select_n3A_876 : vector<16xf32>
            %max3A_1201 = arith.maximumf %max3A_1200, %select_n3A_891 : vector<16xf32>
            %max3A_1202 = arith.maximumf %max3A_1201, %select_n3A_906 : vector<16xf32>
            %max3A_1203 = arith.maximumf %max3A_1202, %select_n3A_921 : vector<16xf32>
            %max3A_1204 = arith.maximumf %max3A_1203, %select_n3A_936 : vector<16xf32>
            %max3A_1205 = arith.maximumf %max3A_1204, %select_n3A_951 : vector<16xf32>
            %max3A_1206 = arith.maximumf %max3A_1205, %select_n3A_966 : vector<16xf32>
            %max3A_1207 = arith.maximumf %max3A_1206, %select_n3A_981 : vector<16xf32>
            %max3A_1208 = arith.maximumf %max3A_1207, %select_n3A_996 : vector<16xf32>
            %max3A_1209 = arith.maximumf %max3A_1208, %select_n3A_1011 : vector<16xf32>
            %max3A_1210 = arith.maximumf %max3A_1209, %select_n3A_1026 : vector<16xf32>
            %max3A_1211 = arith.maximumf %max3A_1210, %select_n3A_1041 : vector<16xf32>
            %max3A_1212 = arith.maximumf %max3A_1211, %select_n3A_1056 : vector<16xf32>
            %max3A_1213 = arith.maximumf %max3A_1212, %select_n3A_1071 : vector<16xf32>
            %max3A_1214 = arith.maximumf %max3A_1213, %select_n3A_1086 : vector<16xf32>
            %max3A_1215 = arith.maximumf %max3A_1214, %select_n3A_1101 : vector<16xf32>
            %max3A_1216 = arith.maximumf %max3A_1215, %select_n3A_1116 : vector<16xf32>
            %max3A_1217 = arith.maximumf %max3A_1216, %select_n3A_1131 : vector<16xf32>
            %max3A_1218 = arith.maximumf %max3A_1217, %select_n3A_1146 : vector<16xf32>
            %max3A_1219 = arith.maximumf %max3A_1218, %select_n3A_1161 : vector<16xf32>
            %max3A_1220 = arith.maximumf %max3A_1219, %select_n3A_1176 : vector<16xf32>
            %max3A_1221 = arith.maximumf %max3A_1220, %select_n3A_1191 : vector<16xf32>
            %swap3A_1222 = arith.constant 0 : i32
            %swap3A_1223 = arith.constant 0 : i32
            %swap3A_1224 = tpu.memref_slice %run_scoped3A_12[%rem3A_416, %swap3A_1222, %swap3A_1223] : memref<2x8x128xf32, #tpu.memory_space<vmem>> -> memref<1x8x128xf32, #tpu.memory_space<vmem>>
            %swap3A_1225 = tpu.memref_squeeze %swap3A_1224 : memref<1x8x128xf32, #tpu.memory_space<vmem>> -> memref<8x128xf32, #tpu.memory_space<vmem>>
            %swap3A_1226 = arith.index_cast %add3A_581 : i32 to index
            %swap3A_1227 = arith.constant 80 : index
            %swap3A_1228 = tpu.vector_load %swap3A_1225[%swap3A_1226, %swap3A_1227] {strides = array<i32>} : memref<8x128xf32, #tpu.memory_space<vmem>>, vector<1x16xf32>,
            %swap3A_1229 = vector.shape_cast %swap3A_1228 : vector<1x16xf32> to vector<16xf32>
            %swap3A_1230 = vector.shape_cast %max3A_1221 : vector<16xf32> to vector<1x16xf32>
            tpu.vector_store %swap3A_1225[%swap3A_1226, %swap3A_1227], %swap3A_1230 {strides = array<i32>} : memref<8x128xf32, #tpu.memory_space<vmem>>, vector<1x16xf32>,
          } else {
          }
        }
        %scan3A_432 = arith.constant 8 : i32
        "tpu.trace_stop"() : () -> ()
        %ne3A_433 = arith.cmpi ne, %add3A_259, %add3A_295 : i32
        %ne3A_434 = arith.cmpi ne, %add3A_261, %add3A_297 : i32
        %or3A_435 = arith.constant false
        %or3A_436 = arith.ori %or3A_435, %ne3A_433 : i1
        %or3A_437 = arith.ori %or3A_436, %ne3A_434 : i1
        %or3A_438 = arith.ori %or3A_437, %eq3A_258 : i1
        %convert_element_type3A_439 = arith.extui %or3A_438 : i1 to i32
        %cond3A_440 = arith.constant 0 : i32
        %cond3A_441 = arith.cmpi ne, %convert_element_type3A_439, %cond3A_440 : i32
        scf.if %cond3A_441 {
        } else {
        }
        %and3A_442 = arith.constant false
        %and3A_443 = arith.andi %or3A_438, %and3A_442 : i1
        %ne3A_444 = arith.cmpi ne, %add3A_259, %add3A_295 : i32
        %or3A_445 = arith.constant false
        %or3A_446 = arith.ori %or3A_445, %ne3A_444 : i1
        %or3A_447 = arith.constant false
        %or3A_448 = arith.ori %or3A_446, %or3A_447 : i1
        %or3A_449 = arith.ori %or3A_448, %eq3A_258 : i1
        %convert_element_type3A_450 = arith.extui %or3A_449 : i1 to i32
        %cond3A_451 = arith.constant 0 : i32
        %cond3A_452 = arith.cmpi ne, %convert_element_type3A_450, %cond3A_451 : i32
        scf.if %cond3A_452 {
        } else {
        }
        %and3A_453 = arith.constant false
        %and3A_454 = arith.andi %or3A_449, %and3A_453 : i1
        %ne3A_455 = arith.cmpi ne, %add3A_261, %add3A_297 : i32
        %or3A_456 = arith.constant false
        %or3A_457 = arith.ori %or3A_456, %ne3A_455 : i1
        %or3A_458 = arith.constant false
        %or3A_459 = arith.ori %or3A_457, %or3A_458 : i1
        %or3A_460 = arith.ori %or3A_459, %eq3A_258 : i1
        %convert_element_type3A_461 = arith.extui %or3A_460 : i1 to i32
        %cond3A_462 = arith.constant 0 : i32
        %cond3A_463 = arith.cmpi ne, %convert_element_type3A_461, %cond3A_462 : i32
        scf.if %cond3A_463 {
        } else {
        }
        %and3A_464 = arith.constant false
        %and3A_465 = arith.andi %or3A_460, %and3A_464 : i1
        %ne3A_466 = arith.cmpi ne, %add3A_259, %add3A_295 : i32
        %ne3A_467 = arith.cmpi ne, %add3A_261, %add3A_297 : i32
        %or3A_468 = arith.constant false
        %or3A_469 = arith.ori %or3A_468, %ne3A_466 : i1
        %or3A_470 = arith.ori %or3A_469, %ne3A_467 : i1
        %or3A_471 = arith.ori %or3A_470, %eq3A_258 : i1
        %convert_element_type3A_472 = arith.extui %or3A_471 : i1 to i32
        %cond3A_473 = arith.constant 0 : i32
        %cond3A_474 = arith.cmpi ne, %convert_element_type3A_472, %cond3A_473 : i32
        scf.if %cond3A_474 {
          "tpu.trace_start"() <{level = 10 : i32, message = "ep_copy_out"}> : () -> ()
          %rem3A_577 = arith.constant 2 : i32
          %rem3A_578 = arith.remui %scan3A_251, %rem3A_577 : i32
          %mul3A_579 = arith.constant 8 : i32
          %mul3A_580 = arith.muli %mul3A_579, %add3A_259 : i32
          %mul3A_581 = arith.constant 128 : i32
          %mul3A_582 = arith.muli %mul3A_581, %add3A_261 : i32
          %dma_start3A_583 = arith.constant 0 : i32
          %dma_start3A_584 = arith.constant 0 : i32
          %dma_start3A_585 = tpu.memref_slice %run_scoped3A_12[%rem3A_578, %dma_start3A_583, %dma_start3A_584] : memref<2x8x128xf32, #tpu.memory_space<vmem>> -> memref<1x8x128xf32, #tpu.memory_space<vmem>>
          %dma_start3A_586 = tpu.memref_squeeze %dma_start3A_585 : memref<1x8x128xf32, #tpu.memory_space<vmem>> -> memref<8x128xf32, #tpu.memory_space<vmem>>
          %dma_start3A_587 = tpu.memref_slice %arg5[%mul3A_580, %mul3A_582] : memref<1024x6144xf32, #tpu.memory_space<hbm>> -> memref<8x128xf32, #tpu.memory_space<hbm>>
          %dma_start3A_588 = tpu.memref_slice %run_scoped3A_13[%rem3A_578] : memref<2x!tpu.dma_semaphore, #tpu.memory_space<semaphore_mem>> -> memref<1x!tpu.dma_semaphore, #tpu.memory_space<semaphore_mem>>
          %dma_start3A_589 = tpu.memref_squeeze %dma_start3A_588 : memref<1x!tpu.dma_semaphore, #tpu.memory_space<semaphore_mem>> -> memref<!tpu.dma_semaphore, #tpu.memory_space<semaphore_mem>>
          %dma_start3A_590 = tpu.memref_slice %arg5[%mul3A_580, %mul3A_582] : memref<1024x6144xf32, #tpu.memory_space<hbm>> -> memref<8x128xf32, #tpu.memory_space<hbm>>
          %dma_start3A_591 = arith.constant 0 : i32
          %dma_start3A_592 = arith.constant 0 : i32
          %dma_start3A_593 = tpu.memref_slice %run_scoped3A_12[%rem3A_578, %dma_start3A_591, %dma_start3A_592] : memref<2x8x128xf32, #tpu.memory_space<vmem>> -> memref<1x8x128xf32, #tpu.memory_space<vmem>>
          %dma_start3A_594 = tpu.memref_squeeze %dma_start3A_593 : memref<1x8x128xf32, #tpu.memory_space<vmem>> -> memref<8x128xf32, #tpu.memory_space<vmem>>
          tpu.enqueue_dma source(%dma_start3A_594 : memref<8x128xf32, #tpu.memory_space<vmem>>) target(%dma_start3A_590 : memref<8x128xf32, #tpu.memory_space<hbm>>) target_semaphore(%dma_start3A_589 : memref<!tpu.dma_semaphore, #tpu.memory_space<semaphore_mem>>)
          "tpu.trace_stop"() : () -> ()
        } else {
        }
        %and3A_475 = arith.constant true
        %and3A_476 = arith.andi %or3A_471, %and3A_475 : i1
        %add3A_477 = arith.constant 1 : i32
        %add3A_478 = arith.addi %scan3A_251, %add3A_477 : i32
        %select_n3A_479 = arith.select %and3A_476, %add3A_478, %scan3A_251 : i32
        %ne3A_480 = arith.cmpi ne, %add3A_259, %add3A_277 : i32
        %ne3A_481 = arith.cmpi ne, %add3A_261, %add3A_279 : i32
        %or3A_482 = arith.constant false
        %or3A_483 = arith.ori %or3A_482, %ne3A_480 : i1
        %or3A_484 = arith.ori %or3A_483, %ne3A_481 : i1
        %not3A_485 = arith.constant true
        %not3A_486 = arith.xori %eq3A_256, %not3A_485 : i1
        %and3A_487 = arith.andi %or3A_484, %not3A_486 : i1
        %convert_element_type3A_488 = arith.extui %and3A_487 : i1 to i32
        %cond3A_489 = arith.constant 0 : i32
        %cond3A_490 = arith.cmpi ne, %convert_element_type3A_488, %cond3A_489 : i32
        scf.if %cond3A_490 {
        } else {
        }
        %and3A_491 = arith.constant false
        %and3A_492 = arith.andi %and3A_487, %and3A_491 : i1
        %ne3A_493 = arith.cmpi ne, %add3A_259, %add3A_277 : i32
        %or3A_494 = arith.constant false
        %or3A_495 = arith.ori %or3A_494, %ne3A_493 : i1
        %or3A_496 = arith.constant false
        %or3A_497 = arith.ori %or3A_495, %or3A_496 : i1
        %not3A_498 = arith.constant true
        %not3A_499 = arith.xori %eq3A_256, %not3A_498 : i1
        %and3A_500 = arith.andi %or3A_497, %not3A_499 : i1
        %convert_element_type3A_501 = arith.extui %and3A_500 : i1 to i32
        %cond3A_502 = arith.constant 0 : i32
        %cond3A_503 = arith.cmpi ne, %convert_element_type3A_501, %cond3A_502 : i32
        scf.if %cond3A_503 {
        } else {
        }
        %and3A_504 = arith.constant false
        %and3A_505 = arith.andi %and3A_500, %and3A_504 : i1
        %ne3A_506 = arith.cmpi ne, %add3A_261, %add3A_279 : i32
        %or3A_507 = arith.constant false
        %or3A_508 = arith.ori %or3A_507, %ne3A_506 : i1
        %or3A_509 = arith.constant false
        %or3A_510 = arith.ori %or3A_508, %or3A_509 : i1
        %not3A_511 = arith.constant true
        %not3A_512 = arith.xori %eq3A_256, %not3A_511 : i1
        %and3A_513 = arith.andi %or3A_510, %not3A_512 : i1
        %convert_element_type3A_514 = arith.extui %and3A_513 : i1 to i32
        %cond3A_515 = arith.constant 0 : i32
        %cond3A_516 = arith.cmpi ne, %convert_element_type3A_514, %cond3A_515 : i32
        scf.if %cond3A_516 {
        } else {
        }
        %and3A_517 = arith.constant false
        %and3A_518 = arith.andi %and3A_513, %and3A_517 : i1
        %ne3A_519 = arith.cmpi ne, %add3A_259, %add3A_277 : i32
        %ne3A_520 = arith.cmpi ne, %add3A_261, %add3A_279 : i32
        %or3A_521 = arith.constant false
        %or3A_522 = arith.ori %or3A_521, %ne3A_519 : i1
        %or3A_523 = arith.ori %or3A_522, %ne3A_520 : i1
        %not3A_524 = arith.constant true
        %not3A_525 = arith.xori %eq3A_256, %not3A_524 : i1
        %and3A_526 = arith.andi %or3A_523, %not3A_525 : i1
        %convert_element_type3A_527 = arith.extui %and3A_526 : i1 to i32
        %cond3A_528 = arith.constant 0 : i32
        %cond3A_529 = arith.cmpi ne, %convert_element_type3A_527, %cond3A_528 : i32
        scf.if %cond3A_529 {
          "tpu.trace_start"() <{level = 10 : i32, message = "ep_wait_out"}> : () -> ()
          %rem3A_577 = arith.constant 2 : i32
          %rem3A_578 = arith.remui %scan3A_252, %rem3A_577 : i32
          %mul3A_579 = arith.constant 8 : i32
          %mul3A_580 = arith.muli %mul3A_579, %add3A_277 : i32
          %mul3A_581 = arith.constant 128 : i32
          %mul3A_582 = arith.muli %mul3A_581, %add3A_279 : i32
          %dma_wait3A_583 = arith.constant 0 : i32
          %dma_wait3A_584 = arith.constant 0 : i32
          %dma_wait3A_585 = tpu.memref_slice %run_scoped3A_12[%rem3A_578, %dma_wait3A_583, %dma_wait3A_584] : memref<2x8x128xf32, #tpu.memory_space<vmem>> -> memref<1x8x128xf32, #tpu.memory_space<vmem>>
          %dma_wait3A_586 = tpu.memref_squeeze %dma_wait3A_585 : memref<1x8x128xf32, #tpu.memory_space<vmem>> -> memref<8x128xf32, #tpu.memory_space<vmem>>
          %dma_wait3A_587 = tpu.memref_slice %arg5[%mul3A_580, %mul3A_582] : memref<1024x6144xf32, #tpu.memory_space<hbm>> -> memref<8x128xf32, #tpu.memory_space<hbm>>
          %dma_wait3A_588 = tpu.memref_slice %run_scoped3A_13[%rem3A_578] : memref<2x!tpu.dma_semaphore, #tpu.memory_space<semaphore_mem>> -> memref<1x!tpu.dma_semaphore, #tpu.memory_space<semaphore_mem>>
          %dma_wait3A_589 = tpu.memref_squeeze %dma_wait3A_588 : memref<1x!tpu.dma_semaphore, #tpu.memory_space<semaphore_mem>> -> memref<!tpu.dma_semaphore, #tpu.memory_space<semaphore_mem>>
          %dma_wait3A_590 = tpu.memref_slice %arg5[%mul3A_580, %mul3A_582] : memref<1024x6144xf32, #tpu.memory_space<hbm>> -> memref<8x128xf32, #tpu.memory_space<hbm>>
          %dma_wait3A_591 = arith.constant 0 : i32
          %dma_wait3A_592 = arith.constant 0 : i32
          %dma_wait3A_593 = tpu.memref_slice %run_scoped3A_12[%rem3A_578, %dma_wait3A_591, %dma_wait3A_592] : memref<2x8x128xf32, #tpu.memory_space<vmem>> -> memref<1x8x128xf32, #tpu.memory_space<vmem>>
          %dma_wait3A_594 = tpu.memref_squeeze %dma_wait3A_593 : memref<1x8x128xf32, #tpu.memory_space<vmem>> -> memref<8x128xf32, #tpu.memory_space<vmem>>
          tpu.wait_dma2 semaphore(%dma_wait3A_589 : memref<!tpu.dma_semaphore, #tpu.memory_space<semaphore_mem>>) src(%dma_wait3A_594 : memref<8x128xf32, #tpu.memory_space<vmem>>) dst(%dma_wait3A_590 : memref<8x128xf32, #tpu.memory_space<hbm>>)
          "tpu.trace_stop"() : () -> ()
        } else {
        }
        %and3A_530 = arith.constant true
        %and3A_531 = arith.andi %and3A_526, %and3A_530 : i1
        %add3A_532 = arith.constant 1 : i32
        %add3A_533 = arith.addi %scan3A_252, %add3A_532 : i32
        %select_n3A_534 = arith.select %and3A_531, %add3A_533, %scan3A_252 : i32
        %ne3A_535 = arith.cmpi ne, %add3A_259, %add3A_295 : i32
        %ne3A_536 = arith.cmpi ne, %add3A_261, %add3A_297 : i32
        %or3A_537 = arith.constant false
        %or3A_538 = arith.ori %or3A_537, %ne3A_535 : i1
        %or3A_539 = arith.ori %or3A_538, %ne3A_536 : i1
        %or3A_540 = arith.ori %or3A_539, %eq3A_258 : i1
        %add3A_541 = arith.constant 1 : i32
        %add3A_542 = arith.addi %scan3A_246, %add3A_541 : i32
        %select_n3A_543 = arith.select %or3A_540, %add3A_542, %scan3A_246 : i32
        %ne3A_544 = arith.cmpi ne, %add3A_259, %add3A_295 : i32
        %or3A_545 = arith.constant false
        %or3A_546 = arith.ori %or3A_545, %ne3A_544 : i1
        %or3A_547 = arith.constant false
        %or3A_548 = arith.ori %or3A_546, %or3A_547 : i1
        %or3A_549 = arith.ori %or3A_548, %eq3A_258 : i1
        %add3A_550 = arith.constant 1 : i32
        %add3A_551 = arith.addi %scan3A_248, %add3A_550 : i32
        %select_n3A_552 = arith.select %or3A_549, %add3A_551, %scan3A_248 : i32
        %ne3A_553 = arith.cmpi ne, %add3A_261, %add3A_297 : i32
        %or3A_554 = arith.constant false
        %or3A_555 = arith.ori %or3A_554, %ne3A_553 : i1
        %or3A_556 = arith.constant false
        %or3A_557 = arith.ori %or3A_555, %or3A_556 : i1
        %or3A_558 = arith.ori %or3A_557, %eq3A_258 : i1
        %add3A_559 = arith.constant 1 : i32
        %add3A_560 = arith.addi %scan3A_250, %add3A_559 : i32
        %select_n3A_561 = arith.select %or3A_558, %add3A_560, %scan3A_250 : i32
        %add3A_562 = arith.constant 1 : i32
        %add3A_563 = arith.addi %scan3A_254, %add3A_562 : i32
        %select_n3A_564 = arith.constant true
        %select_n3A_565 = arith.select %select_n3A_564, %add3A_563, %scan3A_254 : i32
        %eq3A_566 = arith.constant 48 : i32
        %eq3A_567 = arith.cmpi eq, %select_n3A_565, %eq3A_566 : i32
        %select_n3A_568 = arith.constant 0 : i32
        %select_n3A_569 = arith.select %eq3A_567, %select_n3A_568, %select_n3A_565 : i32
        %add3A_570 = arith.constant 1 : i32
        %add3A_571 = arith.addi %scan3A_253, %add3A_570 : i32
        %select_n3A_572 = arith.select %eq3A_567, %add3A_571, %scan3A_253 : i32
        %eq3A_573 = arith.constant 4 : i32
        %eq3A_574 = arith.cmpi eq, %select_n3A_572, %eq3A_573 : i32
        %select_n3A_575 = arith.constant 0 : i32
        %select_n3A_576 = arith.select %eq3A_574, %select_n3A_575, %select_n3A_572 : i32
        scf.yield %select_n3A_326, %select_n3A_543, %select_n3A_344, %select_n3A_552, %select_n3A_362, %select_n3A_561, %select_n3A_479, %select_n3A_534, %select_n3A_576, %select_n3A_569 : i32, i32, i32, i32, i32, i32, i32, i32, i32, i32
      }
      %scan3A_155 = arith.constant 192 : i32
      %sub3A = arith.constant 1 : i32
      %sub3A_156 = arith.subi %scan3A_154#9, %sub3A : i32
      %select_n3A_157 = arith.constant true
      %select_n3A_158 = arith.select %select_n3A_157, %sub3A_156, %scan3A_154#9 : i32
      %eq3A_159 = arith.constant -1 : i32
      %eq3A_160 = arith.cmpi eq, %select_n3A_158, %eq3A_159 : i32
      %select_n3A_161 = arith.constant 47 : i32
      %select_n3A_162 = arith.select %eq3A_160, %select_n3A_161, %select_n3A_158 : i32
      %sub3A_163 = arith.constant 1 : i32
      %sub3A_164 = arith.subi %scan3A_154#8, %sub3A_163 : i32
      %select_n3A_165 = arith.select %eq3A_160, %sub3A_164, %scan3A_154#8 : i32
      %eq3A_166 = arith.constant -1 : i32
      %eq3A_167 = arith.cmpi eq, %select_n3A_165, %eq3A_166 : i32
      %select_n3A_168 = arith.constant 3 : i32
      %select_n3A_169 = arith.select %eq3A_167, %select_n3A_168, %select_n3A_165 : i32
      %add3A_170 = arith.addi %select_n3A_169, %mul3A_6 : i32
      %add3A_171 = arith.constant 0 : i32
      %add3A_172 = arith.addi %select_n3A_162, %add3A_171 : i32
      %sub3A_173 = arith.constant 1 : i32
      %sub3A_174 = arith.subi %select_n3A_162, %sub3A_173 : i32
      %select_n3A_175 = arith.constant true
      %select_n3A_176 = arith.select %select_n3A_175, %sub3A_174, %select_n3A_162 : i32
      %eq3A_177 = arith.constant -1 : i32
      %eq3A_178 = arith.cmpi eq, %select_n3A_176, %eq3A_177 : i32
      %select_n3A_179 = arith.constant 47 : i32
      %select_n3A_180 = arith.select %eq3A_178, %select_n3A_179, %select_n3A_176 : i32
      %sub3A_181 = arith.constant 1 : i32
      %sub3A_182 = arith.subi %select_n3A_169, %sub3A_181 : i32
      %select_n3A_183 = arith.select %eq3A_178, %sub3A_182, %select_n3A_169 : i32
      %eq3A_184 = arith.constant -1 : i32
      %eq3A_185 = arith.cmpi eq, %select_n3A_183, %eq3A_184 : i32
      %select_n3A_186 = arith.constant 3 : i32
      %select_n3A_187 = arith.select %eq3A_185, %select_n3A_186, %select_n3A_183 : i32
      %add3A_188 = arith.addi %select_n3A_187, %mul3A_6 : i32
      %add3A_189 = arith.constant 0 : i32
      %add3A_190 = arith.addi %select_n3A_180, %add3A_189 : i32
      %add3A_191 = arith.constant 1 : i32
      %add3A_192 = arith.addi %select_n3A_162, %add3A_191 : i32
      %select_n3A_193 = arith.constant true
      %select_n3A_194 = arith.select %select_n3A_193, %add3A_192, %select_n3A_162 : i32
      %eq3A_195 = arith.constant 48 : i32
      %eq3A_196 = arith.cmpi eq, %select_n3A_194, %eq3A_195 : i32
      %select_n3A_197 = arith.constant 0 : i32
      %select_n3A_198 = arith.select %eq3A_196, %select_n3A_197, %select_n3A_194 : i32
      %add3A_199 = arith.constant 1 : i32
      %add3A_200 = arith.addi %select_n3A_169, %add3A_199 : i32
      %select_n3A_201 = arith.select %eq3A_196, %add3A_200, %select_n3A_169 : i32
      %eq3A_202 = arith.constant 4 : i32
      %eq3A_203 = arith.cmpi eq, %select_n3A_201, %eq3A_202 : i32
      %select_n3A_204 = arith.constant 0 : i32
      %select_n3A_205 = arith.select %eq3A_203, %select_n3A_204, %select_n3A_201 : i32
      %add3A_206 = arith.addi %select_n3A_205, %mul3A_6 : i32
      %add3A_207 = arith.constant 0 : i32
      %add3A_208 = arith.addi %select_n3A_198, %add3A_207 : i32
      %add3A_209 = arith.constant 1 : i32
      %add3A_210 = arith.addi %select_n3A_198, %add3A_209 : i32
      %select_n3A_211 = arith.constant true
      %select_n3A_212 = arith.select %select_n3A_211, %add3A_210, %select_n3A_198 : i32
      %eq3A_213 = arith.constant 48 : i32
      %eq3A_214 = arith.cmpi eq, %select_n3A_212, %eq3A_213 : i32
      %select_n3A_215 = arith.constant 0 : i32
      %select_n3A_216 = arith.select %eq3A_214, %select_n3A_215, %select_n3A_212 : i32
      %add3A_217 = arith.constant 1 : i32
      %add3A_218 = arith.addi %select_n3A_205, %add3A_217 : i32
      %select_n3A_219 = arith.select %eq3A_214, %add3A_218, %select_n3A_205 : i32
      %eq3A_220 = arith.constant 4 : i32
      %eq3A_221 = arith.cmpi eq, %select_n3A_219, %eq3A_220 : i32
      %select_n3A_222 = arith.constant 0 : i32
      %select_n3A_223 = arith.select %eq3A_221, %select_n3A_222, %select_n3A_219 : i32
      %add3A_224 = arith.addi %select_n3A_223, %mul3A_6 : i32
      %add3A_225 = arith.constant 0 : i32
      %add3A_226 = arith.addi %select_n3A_216, %add3A_225 : i32
      "tpu.trace_start"() <{level = 10 : i32, message = "ep_finalize"}> : () -> ()
      %rem3A_227 = arith.constant 2 : i32
      %rem3A_228 = arith.remui %scan3A_154#7, %rem3A_227 : i32
      %mul3A_229 = arith.constant 8 : i32
      %mul3A_230 = arith.muli %mul3A_229, %add3A_170 : i32
      %mul3A_231 = arith.constant 128 : i32
      %mul3A_232 = arith.muli %mul3A_231, %add3A_172 : i32
      %dma_wait3A = arith.constant 0 : i32
      %dma_wait3A_233 = arith.constant 0 : i32
      %dma_wait3A_234 = tpu.memref_slice %run_scoped3A_12[%rem3A_228, %dma_wait3A, %dma_wait3A_233] : memref<2x8x128xf32, #tpu.memory_space<vmem>> -> memref<1x8x128xf32, #tpu.memory_space<vmem>>
      %dma_wait3A_235 = tpu.memref_squeeze %dma_wait3A_234 : memref<1x8x128xf32, #tpu.memory_space<vmem>> -> memref<8x128xf32, #tpu.memory_space<vmem>>
      %dma_wait3A_236 = tpu.memref_slice %arg5[%mul3A_230, %mul3A_232] : memref<1024x6144xf32, #tpu.memory_space<hbm>> -> memref<8x128xf32, #tpu.memory_space<hbm>>
      %dma_wait3A_237 = tpu.memref_slice %run_scoped3A_13[%rem3A_228] : memref<2x!tpu.dma_semaphore, #tpu.memory_space<semaphore_mem>> -> memref<1x!tpu.dma_semaphore, #tpu.memory_space<semaphore_mem>>
      %dma_wait3A_238 = tpu.memref_squeeze %dma_wait3A_237 : memref<1x!tpu.dma_semaphore, #tpu.memory_space<semaphore_mem>> -> memref<!tpu.dma_semaphore, #tpu.memory_space<semaphore_mem>>
      %dma_wait3A_239 = tpu.memref_slice %arg5[%mul3A_230, %mul3A_232] : memref<1024x6144xf32, #tpu.memory_space<hbm>> -> memref<8x128xf32, #tpu.memory_space<hbm>>
      %dma_wait3A_240 = arith.constant 0 : i32
      %dma_wait3A_241 = arith.constant 0 : i32
      %dma_wait3A_242 = tpu.memref_slice %run_scoped3A_12[%rem3A_228, %dma_wait3A_240, %dma_wait3A_241] : memref<2x8x128xf32, #tpu.memory_space<vmem>> -> memref<1x8x128xf32, #tpu.memory_space<vmem>>
      %dma_wait3A_243 = tpu.memref_squeeze %dma_wait3A_242 : memref<1x8x128xf32, #tpu.memory_space<vmem>> -> memref<8x128xf32, #tpu.memory_space<vmem>>
      tpu.wait_dma2 semaphore(%dma_wait3A_238 : memref<!tpu.dma_semaphore, #tpu.memory_space<semaphore_mem>>) src(%dma_wait3A_243 : memref<8x128xf32, #tpu.memory_space<vmem>>) dst(%dma_wait3A_239 : memref<8x128xf32, #tpu.memory_space<hbm>>)
      "tpu.trace_stop"() : () -> ()
      tpu.yield
    }) : () -> ()
    return
  }
}

module attributes {stable_mosaic.version = 14 : i64} {
  func.func @_tc_block(%arg0: i32, %arg1: memref<32x2048xf32, #tpu.memory_space<vmem>>, %arg2: memref<32x1xi32, #tpu.memory_space<vmem>>, %arg3: memref<32x1xf32, #tpu.memory_space<vmem>>, %arg4: memref<32x1xf32, #tpu.memory_space<vmem>>) attributes {dimension_semantics = [#tpu.dimension_semantics<arbitrary>], iteration_bounds = array<i64: 32>, scalar_prefetch = 0 : i64, scratch_operands = 0 : i64, tpu.core_type = #tpu.core_type<tc>, window_params = [{transform_indices = @transform_0, window_bounds = array<i64: 32, 2048>}, {transform_indices = @transform_1, window_bounds = array<i64: 32, 1>}, {transform_indices = @transform_2, window_bounds = array<i64: 32, 1>}, {transform_indices = @transform_3, window_bounds = array<i64: 32, 1>}]} {
    %get3A = arith.constant 0 : index
    %get3A_0 = arith.constant 0 : index
    %get3A_1 = vector.load %arg2[%get3A, %get3A_0] : memref<32x1xi32, #tpu.memory_space<vmem>>, vector<32x1xi32>
    %get3A_2 = arith.constant 0 : index
    %get3A_3 = arith.constant 0 : index
    %get3A_4 = vector.load %arg1[%get3A_2, %get3A_3] : memref<32x2048xf32, #tpu.memory_space<vmem>>, vector<32x2048xf32>
    %iota3A = tpu.iota {dimensions = array<i32: 1>} : vector<32x2048xi32>
    %sub3A = arith.constant 98304 : i32
    %sub3A_5 = vector.broadcast %sub3A : i32 to vector<32x1xi32>
    %sub3A_6 = arith.subi %get3A_1, %sub3A_5 : vector<32x1xi32>
    %eq3A = vector.broadcast %sub3A_6 : vector<32x1xi32> to vector<32x2048xi32>
    %eq3A_7 = arith.cmpi eq, %iota3A, %eq3A : vector<32x2048xi32>
    %ge3A = arith.constant 1696 : i32
    %ge3A_8 = vector.broadcast %ge3A : i32 to vector<32x2048xi32>
    %ge3A_9 = arith.cmpi sge, %iota3A, %ge3A_8 : vector<32x2048xi32>
    %or3A = arith.ori %eq3A_7, %ge3A_9 : vector<32x2048xi1>
    %jit3A = arith.constant 0xFF800000 : f32
    %broadcast_in_dim3A = vector.broadcast %jit3A : f32 to vector<32x2048xf32>
    %select_n3A = arith.select %or3A, %broadcast_in_dim3A, %get3A_4 : vector<32x2048xi1>, vector<32x2048xf32>
    %reduce_max3A = arith.constant dense<0xFF800000> : vector<32xf32>
    %reduce_max3A_10 = vector.multi_reduction <maximumf>, %select_n3A, %reduce_max3A [1] : vector<32x2048xf32> to vector<32xf32>
    %broadcast_in_dim3A_11 = vector.shape_cast %reduce_max3A_10 : vector<32xf32> to vector<32x1xf32>
    %swap3A = arith.constant 0 : index
    %swap3A_12 = arith.constant 0 : index
    %swap3A_13 = vector.load %arg3[%swap3A, %swap3A_12] : memref<32x1xf32, #tpu.memory_space<vmem>>, vector<32x1xf32>
    tpu.vector_store %arg3[%swap3A, %swap3A_12], %broadcast_in_dim3A_11 {strides = array<i32>} : memref<32x1xf32, #tpu.memory_space<vmem>>, vector<32x1xf32>,
    %jit3A_14 = arith.constant 0xFF800000 : f32
    %broadcast_in_dim3A_15 = vector.broadcast %jit3A_14 : f32 to vector<32x2048xf32>
    %select_n3A_16 = arith.select %eq3A_7, %get3A_4, %broadcast_in_dim3A_15 : vector<32x2048xi1>, vector<32x2048xf32>
    %reduce_max3A_17 = arith.constant dense<0xFF800000> : vector<32xf32>
    %reduce_max3A_18 = vector.multi_reduction <maximumf>, %select_n3A_16, %reduce_max3A_17 [1] : vector<32x2048xf32> to vector<32xf32>
    %broadcast_in_dim3A_19 = vector.shape_cast %reduce_max3A_18 : vector<32xf32> to vector<32x1xf32>
    %swap3A_20 = arith.constant 0 : index
    %swap3A_21 = arith.constant 0 : index
    %swap3A_22 = vector.load %arg4[%swap3A_20, %swap3A_21] : memref<32x1xf32, #tpu.memory_space<vmem>>, vector<32x1xf32>
    tpu.vector_store %arg4[%swap3A_20, %swap3A_21], %broadcast_in_dim3A_19 {strides = array<i32>} : memref<32x1xf32, #tpu.memory_space<vmem>>, vector<32x1xf32>,
    return
  }
  func.func @transform_0(%arg0: i32) -> (i32, i32) {
    %c48_i32 = arith.constant 48 : i32
    %c0_i32 = arith.constant 0 : i32
    return %arg0, %c48_i32 : i32, i32
  }
  func.func @transform_1(%arg0: i32) -> (i32, i32) {
    %c0_i32 = arith.constant 0 : i32
    %c0_i32_0 = arith.constant 0 : i32
    return %arg0, %c0_i32 : i32, i32
  }
  func.func @transform_2(%arg0: i32) -> (i32, i32) {
    %c0_i32 = arith.constant 0 : i32
    %c0_i32_0 = arith.constant 0 : i32
    return %arg0, %c0_i32 : i32, i32
  }
  func.func @transform_3(%arg0: i32) -> (i32, i32) {
    %c0_i32 = arith.constant 0 : i32
    %c0_i32_0 = arith.constant 0 : i32
    return %arg0, %c0_i32 : i32, i32
  }
}

module attributes {stable_mosaic.version = 14 : i64} {
  func.func @_combine_block(%arg0: i32, %arg1: memref<128x6144xf32, #tpu.memory_space<vmem>>, %arg2: memref<128x1xi32, #tpu.memory_space<vmem>>, %arg3: memref<128x1xf32, #tpu.memory_space<vmem>>, %arg4: memref<128x1xf32, #tpu.memory_space<vmem>>, %arg5: memref<128x1xf32, #tpu.memory_space<vmem>>) attributes {dimension_semantics = [#tpu.dimension_semantics<arbitrary>], iteration_bounds = array<i64: 8>, scalar_prefetch = 0 : i64, scratch_operands = 0 : i64, tpu.core_type = #tpu.core_type<tc>, window_params = [{transform_indices = @transform_0, window_bounds = array<i64: 128, 6144>}, {transform_indices = @transform_1, window_bounds = array<i64: 128, 1>}, {transform_indices = @transform_2, window_bounds = array<i64: 128, 1>}, {transform_indices = @transform_3, window_bounds = array<i64: 128, 1>}, {transform_indices = @transform_4, window_bounds = array<i64: 128, 1>}]} {
    %get3A = arith.constant 0 : index
    %get3A_0 = arith.constant 0 : index
    %get3A_1 = vector.load %arg2[%get3A, %get3A_0] : memref<128x1xi32, #tpu.memory_space<vmem>>, vector<128x1xi32>
    %get3A_2 = arith.constant 0 : index
    %get3A_3 = arith.constant 0 : index
    %get3A_4 = vector.load %arg1[%get3A_2, %get3A_3] : memref<128x6144xf32, #tpu.memory_space<vmem>>, vector<128x6144xf32>
    %iota3A = tpu.iota {dimensions = array<i32: 1>} : vector<128x6144xi32>
    %jit3A = arith.constant 128 : i32
    %eq3A = arith.constant 0 : i32
    %eq3A_5 = arith.cmpi eq, %jit3A, %eq3A : i32
    %jit3A_6 = arith.constant 1 : i32
    %select_n3A = arith.select %eq3A_5, %jit3A_6, %jit3A : i32
    %rem3A = vector.broadcast %select_n3A : i32 to vector<128x6144xi32>
    %rem3A_7 = arith.remsi %iota3A, %rem3A : vector<128x6144xi32>
    %ne3A = arith.constant 0 : i32
    %ne3A_8 = vector.broadcast %ne3A : i32 to vector<128x6144xi32>
    %ne3A_9 = arith.cmpi ne, %rem3A_7, %ne3A_8 : vector<128x6144xi32>
    %lt3A = arith.constant 0 : i32
    %lt3A_10 = vector.broadcast %lt3A : i32 to vector<128x6144xi32>
    %lt3A_11 = arith.cmpi slt, %rem3A_7, %lt3A_10 : vector<128x6144xi32>
    %lt3A_12 = arith.constant 0 : i32
    %lt3A_13 = arith.cmpi slt, %select_n3A, %lt3A_12 : i32
    %ne3A_14 = vector.broadcast %lt3A_13 : i1 to vector<128x6144xi1>
    %ne3A_15 = vector.broadcast %ne3A_14 : vector<128x6144xi1> to vector<128x6144xi1>
    %ne3A_16 = arith.xori %lt3A_11, %ne3A_15 : vector<128x6144xi1>
    %and3A = arith.andi %ne3A_16, %ne3A_9 : vector<128x6144xi1>
    %add3A = vector.broadcast %select_n3A : i32 to vector<128x6144xi32>
    %add3A_17 = arith.addi %rem3A_7, %add3A : vector<128x6144xi32>
    %select_n3A_18 = arith.select %and3A, %add3A_17, %rem3A_7 : vector<128x6144xi1>, vector<128x6144xi32>
    %jit3A_19 = arith.constant 512 : i32
    %div3A = vector.broadcast %jit3A_19 : i32 to vector<128x1xi32>
    %div3A_20 = arith.divsi %get3A_1, %div3A : vector<128x1xi32>
    %sign3A = arith.constant 0 : i32
    %sign3A_21 = vector.broadcast %sign3A : i32 to vector<128x1xi32>
    %sign3A_22 = arith.cmpi sgt, %get3A_1, %sign3A_21 : vector<128x1xi32>
    %sign3A_23 = arith.extui %sign3A_22 : vector<128x1xi1> to vector<128x1xi32>
    %sign3A_24 = arith.constant 0 : i32
    %sign3A_25 = vector.broadcast %sign3A_24 : i32 to vector<128x1xi32>
    %sign3A_26 = arith.cmpi slt, %get3A_1, %sign3A_25 : vector<128x1xi32>
    %sign3A_27 = arith.extui %sign3A_26 : vector<128x1xi1> to vector<128x1xi32>
    %sign3A_28 = arith.subi %sign3A_23, %sign3A_27 : vector<128x1xi32>
    %sign3A_29 = arith.constant 0 : i32
    %sign3A_30 = arith.cmpi sgt, %jit3A_19, %sign3A_29 : i32
    %sign3A_31 = arith.extui %sign3A_30 : i1 to i32
    %sign3A_32 = arith.constant 0 : i32
    %sign3A_33 = arith.cmpi slt, %jit3A_19, %sign3A_32 : i32
    %sign3A_34 = arith.extui %sign3A_33 : i1 to i32
    %sign3A_35 = arith.subi %sign3A_31, %sign3A_34 : i32
    %ne3A_36 = vector.broadcast %sign3A_35 : i32 to vector<128x1xi32>
    %ne3A_37 = arith.cmpi ne, %sign3A_28, %ne3A_36 : vector<128x1xi32>
    %rem3A_38 = vector.broadcast %jit3A_19 : i32 to vector<128x1xi32>
    %rem3A_39 = arith.remsi %get3A_1, %rem3A_38 : vector<128x1xi32>
    %ne3A_40 = arith.constant 0 : i32
    %ne3A_41 = vector.broadcast %ne3A_40 : i32 to vector<128x1xi32>
    %ne3A_42 = arith.cmpi ne, %rem3A_39, %ne3A_41 : vector<128x1xi32>
    %and3A_43 = arith.andi %ne3A_37, %ne3A_42 : vector<128x1xi1>
    %sub3A = arith.constant 1 : i32
    %sub3A_44 = vector.broadcast %sub3A : i32 to vector<128x1xi32>
    %sub3A_45 = arith.subi %div3A_20, %sub3A_44 : vector<128x1xi32>
    %select_n3A_46 = arith.select %and3A_43, %sub3A_45, %div3A_20 : vector<128x1xi1>, vector<128x1xi32>
    %jit3A_47 = arith.constant 128 : i32
    %div3A_48 = vector.broadcast %jit3A_47 : i32 to vector<128x6144xi32>
    %div3A_49 = arith.divsi %iota3A, %div3A_48 : vector<128x6144xi32>
    %sign3A_50 = arith.constant 0 : i32
    %sign3A_51 = vector.broadcast %sign3A_50 : i32 to vector<128x6144xi32>
    %sign3A_52 = arith.cmpi sgt, %iota3A, %sign3A_51 : vector<128x6144xi32>
    %sign3A_53 = arith.extui %sign3A_52 : vector<128x6144xi1> to vector<128x6144xi32>
    %sign3A_54 = arith.constant 0 : i32
    %sign3A_55 = vector.broadcast %sign3A_54 : i32 to vector<128x6144xi32>
    %sign3A_56 = arith.cmpi slt, %iota3A, %sign3A_55 : vector<128x6144xi32>
    %sign3A_57 = arith.extui %sign3A_56 : vector<128x6144xi1> to vector<128x6144xi32>
    %sign3A_58 = arith.subi %sign3A_53, %sign3A_57 : vector<128x6144xi32>
    %sign3A_59 = arith.constant 0 : i32
    %sign3A_60 = arith.cmpi sgt, %jit3A_47, %sign3A_59 : i32
    %sign3A_61 = arith.extui %sign3A_60 : i1 to i32
    %sign3A_62 = arith.constant 0 : i32
    %sign3A_63 = arith.cmpi slt, %jit3A_47, %sign3A_62 : i32
    %sign3A_64 = arith.extui %sign3A_63 : i1 to i32
    %sign3A_65 = arith.subi %sign3A_61, %sign3A_64 : i32
    %ne3A_66 = vector.broadcast %sign3A_65 : i32 to vector<128x6144xi32>
    %ne3A_67 = arith.cmpi ne, %sign3A_58, %ne3A_66 : vector<128x6144xi32>
    %rem3A_68 = vector.broadcast %jit3A_47 : i32 to vector<128x6144xi32>
    %rem3A_69 = arith.remsi %iota3A, %rem3A_68 : vector<128x6144xi32>
    %ne3A_70 = arith.constant 0 : i32
    %ne3A_71 = vector.broadcast %ne3A_70 : i32 to vector<128x6144xi32>
    %ne3A_72 = arith.cmpi ne, %rem3A_69, %ne3A_71 : vector<128x6144xi32>
    %and3A_73 = arith.andi %ne3A_67, %ne3A_72 : vector<128x6144xi1>
    %sub3A_74 = arith.constant 1 : i32
    %sub3A_75 = vector.broadcast %sub3A_74 : i32 to vector<128x6144xi32>
    %sub3A_76 = arith.subi %div3A_49, %sub3A_75 : vector<128x6144xi32>
    %select_n3A_77 = arith.select %and3A_73, %sub3A_76, %div3A_49 : vector<128x6144xi1>, vector<128x6144xi32>
    %mul3A = arith.constant 4 : i32
    %mul3A_78 = vector.broadcast %mul3A : i32 to vector<128x6144xi32>
    %mul3A_79 = arith.muli %select_n3A_77, %mul3A_78 : vector<128x6144xi32>
    %jit3A_80 = arith.constant 16 : i32
    %div3A_81 = vector.broadcast %jit3A_80 : i32 to vector<128x6144xi32>
    %div3A_82 = arith.divsi %select_n3A_18, %div3A_81 : vector<128x6144xi32>
    %sign3A_83 = arith.constant 0 : i32
    %sign3A_84 = vector.broadcast %sign3A_83 : i32 to vector<128x6144xi32>
    %sign3A_85 = arith.cmpi sgt, %select_n3A_18, %sign3A_84 : vector<128x6144xi32>
    %sign3A_86 = arith.extui %sign3A_85 : vector<128x6144xi1> to vector<128x6144xi32>
    %sign3A_87 = arith.constant 0 : i32
    %sign3A_88 = vector.broadcast %sign3A_87 : i32 to vector<128x6144xi32>
    %sign3A_89 = arith.cmpi slt, %select_n3A_18, %sign3A_88 : vector<128x6144xi32>
    %sign3A_90 = arith.extui %sign3A_89 : vector<128x6144xi1> to vector<128x6144xi32>
    %sign3A_91 = arith.subi %sign3A_86, %sign3A_90 : vector<128x6144xi32>
    %sign3A_92 = arith.constant 0 : i32
    %sign3A_93 = arith.cmpi sgt, %jit3A_80, %sign3A_92 : i32
    %sign3A_94 = arith.extui %sign3A_93 : i1 to i32
    %sign3A_95 = arith.constant 0 : i32
    %sign3A_96 = arith.cmpi slt, %jit3A_80, %sign3A_95 : i32
    %sign3A_97 = arith.extui %sign3A_96 : i1 to i32
    %sign3A_98 = arith.subi %sign3A_94, %sign3A_97 : i32
    %ne3A_99 = vector.broadcast %sign3A_98 : i32 to vector<128x6144xi32>
    %ne3A_100 = arith.cmpi ne, %sign3A_91, %ne3A_99 : vector<128x6144xi32>
    %rem3A_101 = vector.broadcast %jit3A_80 : i32 to vector<128x6144xi32>
    %rem3A_102 = arith.remsi %select_n3A_18, %rem3A_101 : vector<128x6144xi32>
    %ne3A_103 = arith.constant 0 : i32
    %ne3A_104 = vector.broadcast %ne3A_103 : i32 to vector<128x6144xi32>
    %ne3A_105 = arith.cmpi ne, %rem3A_102, %ne3A_104 : vector<128x6144xi32>
    %and3A_106 = arith.andi %ne3A_100, %ne3A_105 : vector<128x6144xi1>
    %sub3A_107 = arith.constant 1 : i32
    %sub3A_108 = vector.broadcast %sub3A_107 : i32 to vector<128x6144xi32>
    %sub3A_109 = arith.subi %div3A_82, %sub3A_108 : vector<128x6144xi32>
    %select_n3A_110 = arith.select %and3A_106, %sub3A_109, %div3A_82 : vector<128x6144xi1>, vector<128x6144xi32>
    %add3A_111 = arith.addi %mul3A_79, %select_n3A_110 : vector<128x6144xi32>
    %lt3A_112 = arith.constant 64 : i32
    %lt3A_113 = vector.broadcast %lt3A_112 : i32 to vector<128x6144xi32>
    %lt3A_114 = arith.cmpi slt, %select_n3A_18, %lt3A_113 : vector<128x6144xi32>
    %eq3A_115 = vector.broadcast %select_n3A_46 : vector<128x1xi32> to vector<128x6144xi32>
    %eq3A_116 = arith.cmpi eq, %add3A_111, %eq3A_115 : vector<128x6144xi32>
    %and3A_117 = arith.andi %lt3A_114, %eq3A_116 : vector<128x6144xi1>
    %not3A = arith.constant dense<true> : vector<128x6144xi1>
    %not3A_118 = arith.xori %lt3A_114, %not3A : vector<128x6144xi1>
    %or3A = arith.ori %and3A_117, %not3A_118 : vector<128x6144xi1>
    %jit3A_119 = arith.constant 0xFF800000 : f32
    %broadcast_in_dim3A = vector.broadcast %jit3A_119 : f32 to vector<128x6144xf32>
    %select_n3A_120 = arith.select %or3A, %broadcast_in_dim3A, %get3A_4 : vector<128x6144xi1>, vector<128x6144xf32>
    %reduce_max3A = arith.constant dense<0xFF800000> : vector<128xf32>
    %reduce_max3A_121 = vector.multi_reduction <maximumf>, %select_n3A_120, %reduce_max3A [1] : vector<128x6144xf32> to vector<128xf32>
    %broadcast_in_dim3A_122 = vector.shape_cast %reduce_max3A_121 : vector<128xf32> to vector<128x1xf32>
    %ge3A = arith.constant 80 : i32
    %ge3A_123 = vector.broadcast %ge3A : i32 to vector<128x6144xi32>
    %ge3A_124 = arith.cmpi sge, %select_n3A_18, %ge3A_123 : vector<128x6144xi32>
    %lt3A_125 = arith.constant 96 : i32
    %lt3A_126 = vector.broadcast %lt3A_125 : i32 to vector<128x6144xi32>
    %lt3A_127 = arith.cmpi slt, %select_n3A_18, %lt3A_126 : vector<128x6144xi32>
    %and3A_128 = arith.andi %ge3A_124, %lt3A_127 : vector<128x6144xi1>
    %jit3A_129 = arith.constant 0xFF800000 : f32
    %broadcast_in_dim3A_130 = vector.broadcast %jit3A_129 : f32 to vector<128x6144xf32>
    %select_n3A_131 = arith.select %and3A_128, %get3A_4, %broadcast_in_dim3A_130 : vector<128x6144xi1>, vector<128x6144xf32>
    %reduce_max3A_132 = arith.constant dense<0xFF800000> : vector<128xf32>
    %reduce_max3A_133 = vector.multi_reduction <maximumf>, %select_n3A_131, %reduce_max3A_132 [1] : vector<128x6144xf32> to vector<128xf32>
    %broadcast_in_dim3A_134 = vector.shape_cast %reduce_max3A_133 : vector<128xf32> to vector<128x1xf32>
    %ge3A_135 = arith.constant 64 : i32
    %ge3A_136 = vector.broadcast %ge3A_135 : i32 to vector<128x6144xi32>
    %ge3A_137 = arith.cmpi sge, %select_n3A_18, %ge3A_136 : vector<128x6144xi32>
    %lt3A_138 = arith.constant 80 : i32
    %lt3A_139 = vector.broadcast %lt3A_138 : i32 to vector<128x6144xi32>
    %lt3A_140 = arith.cmpi slt, %select_n3A_18, %lt3A_139 : vector<128x6144xi32>
    %and3A_141 = arith.andi %ge3A_137, %lt3A_140 : vector<128x6144xi1>
    %jit3A_142 = arith.constant 0xFF800000 : f32
    %broadcast_in_dim3A_143 = vector.broadcast %jit3A_142 : f32 to vector<128x6144xf32>
    %select_n3A_144 = arith.select %and3A_141, %get3A_4, %broadcast_in_dim3A_143 : vector<128x6144xi1>, vector<128x6144xf32>
    %reduce_max3A_145 = arith.constant dense<0xFF800000> : vector<128xf32>
    %reduce_max3A_146 = vector.multi_reduction <maximumf>, %select_n3A_144, %reduce_max3A_145 [1] : vector<128x6144xf32> to vector<128xf32>
    %broadcast_in_dim3A_147 = vector.shape_cast %reduce_max3A_146 : vector<128xf32> to vector<128x1xf32>
    %get3A_148 = arith.constant 0 : index
    %get3A_149 = arith.constant 0 : index
    %get3A_150 = vector.load %arg3[%get3A_148, %get3A_149] : memref<128x1xf32, #tpu.memory_space<vmem>>, vector<128x1xf32>
    %max3A = arith.maximumf %broadcast_in_dim3A_122, %get3A_150 : vector<128x1xf32>
    %max3A_151 = arith.maximumf %max3A, %broadcast_in_dim3A_134 : vector<128x1xf32>
    %get3A_152 = arith.constant 0 : index
    %get3A_153 = arith.constant 0 : index
    %get3A_154 = vector.load %arg4[%get3A_152, %get3A_153] : memref<128x1xf32, #tpu.memory_space<vmem>>, vector<128x1xf32>
    %max3A_155 = arith.maximumf %broadcast_in_dim3A_147, %get3A_154 : vector<128x1xf32>
    %sub3A_156 = arith.subf %max3A_151, %max3A_155 : vector<128x1xf32>
    %swap3A = arith.constant 0 : index
    %swap3A_157 = arith.constant 0 : index
    %swap3A_158 = vector.load %arg5[%swap3A, %swap3A_157] : memref<128x1xf32, #tpu.memory_space<vmem>>, vector<128x1xf32>
    tpu.vector_store %arg5[%swap3A, %swap3A_157], %sub3A_156 {strides = array<i32>} : memref<128x1xf32, #tpu.memory_space<vmem>>, vector<128x1xf32>,
    return
  }
  func.func @transform_0(%arg0: i32) -> (i32, i32) {
    %c0_i32 = arith.constant 0 : i32
    %c0_i32_0 = arith.constant 0 : i32
    return %arg0, %c0_i32 : i32, i32
  }
  func.func @transform_1(%arg0: i32) -> (i32, i32) {
    %c0_i32 = arith.constant 0 : i32
    %c0_i32_0 = arith.constant 0 : i32
    return %arg0, %c0_i32 : i32, i32
  }
  func.func @transform_2(%arg0: i32) -> (i32, i32) {
    %c0_i32 = arith.constant 0 : i32
    %c0_i32_0 = arith.constant 0 : i32
    return %arg0, %c0_i32 : i32, i32
  }
  func.func @transform_3(%arg0: i32) -> (i32, i32) {
    %c0_i32 = arith.constant 0 : i32
    %c0_i32_0 = arith.constant 0 : i32
    return %arg0, %c0_i32 : i32, i32
  }
  func.func @transform_4(%arg0: i32) -> (i32, i32) {
    %c0_i32 = arith.constant 0 : i32
    %c0_i32_0 = arith.constant 0 : i32
    return %arg0, %c0_i32 : i32, i32
  }
}

</mosaic_0001>

<sc_bundles>
// kernel: kernel.5.cloned.1.call-start
scs
__scs_entry_jumppad:
0x0: {  	(pc) =	sbr.rel $0x88, $3  }
0x1: {  	(tag) =	ssettag $0x0;
	lr =	simm.s32 $0x1  }
0x2: {  	[smem:$0x3F9F] =	sst lr;
	_ =	strace $0xD0000000  }
0x3: {  	_ = 	snop  }
0x4: {  	_ = 	snop  }
0x5: {  	_ = 	snop  }
0x6: {  	_ = 	snop  }
0x7: {  	_ = 	snop  }
__scs_overlays_trampoline_lowered:
0x8: {  	[smem:$0x3FAE] =	sst s0  }
0x9: {  	[smem:$0x3FAF] =	sst s1  }
0xa: {  	[smem:$0x3FB0] =	sst s2  }
0xb: {  	[smem:$0x3FB1] =	sst s3  }
0xc: {  	[smem:$0x3FB2] =	sst s4  }
0xd: {  	[smem:$0x3FB3] =	sst s5  }
0xe: {  	[smem:$0x3FB4] =	sst s6  }
0xf: {  	[smem:$0x3FB5] =	sst s7  }
0x10: {  	[smem:$0x3FB6] =	sst s8  }
0x11: {  	[smem:$0x3FB7] =	sst s9;
	s0 =	simm.s32 @!p0 $0x0  }
0x12: {  	s1 =	sld [smem:$0x3F9D];
	s0 =	simm.s32 @p0 $0x1  }
0x13: {  	[smem:$0x3FB8] =	sst s0;
	s0 =	simm.s32 @!p1 $0x0  }
0x14: {  	s2 =	sld [smem:$0x3F9C];
	s0 =	simm.s32 @p1 $0x1  }
0x15: {  	[smem:$0x3FB9] =	sst s0;
	s0 =	simm.s32 @!p2 $0x0  }
0x16: {  	s3 =	sld [smem:$0x3FDB];
	s0 =	simm.s32 @p2 $0x1  }
0x17: {  	s4 =	simm.s32 $0x1BF5;
	[smem:$0x3FBB] =	sst s0  }
0x18: {  	s0 =	sld [smem:$0x3F9E];
	_ =	swait.ge [sflag:s4], $0x0  }
0x19: {  	s7 =	sld [smem:$0x3F9F]  }
0x1a: {  	s8 =	sadd.s32 $0xFFFFE003, lr  }
0x1b: {  	s9 =	sadd.s32 $0xFFFFFEF7, lr;
	s5 =	simm.s32 $0xFFFFFFFF;
	p2 =	slt.u32 s8, $0xFFFFF086  }
0x1c: {  	p1 =	slt.u32 s9, $0xF7A;
	s5 =	simm.s32 @!p2 $0x0  }
0x1d: {  	s5 =	simm.s32 @p1 $0x1;
	p0 =	seq.s32 s7, s2  }
0x1e: {  	s7 =	smul.u32 @!p0 $0xF7A, s2;
	p2 =	seq.s32 @!p0 s5, $0x0  }
0x1f: {  	s9 =	smul.u32 $0xF7A, s1;
	s8 =	simm.s32 @!p0 $0x1BF5;
	p2 =	por !p2, p0  }
0x20: {  	[sflag:s8] =	ssyncset.s32 @!p0 $0xFFFFF086;
	s6 =	sadd.s32 @!p0 s3, s7;
	s7 =	simm.s32 @!p0 $0x108  }
0x21: {  	s3 =	sadd.s32 s3, s9;
	s6 =	sadd.s32 @!p0 $0x88, s6;
	s7 =	simm.s32 @p2 $0x1082  }
0x22: {  	[simem:s7], [sflag:s8] =	dma.local @!p0 [hbm:s6], $0xF7A  }
0x23: {  	s9 =	sor.u32 $0xD0000000, s2;
	s6 =	simm.s32 $0x108;
	_ =	swait.ge @!p0 [sflag:s8], $0x0  }
0x24: {  	s3 =	sadd.s32 $0x88, s3;
	s6 =	simm.s32 @!p1 $0x1082;
	[sflag:s4] =	ssyncset.s32 $0xFFFFF086  }
0x25: {  	[simem:s6], [sflag:s4] =	dma.local [hbm:s3], $0xF7A  }
0x26: {  	[smem:$0x3F9F] =	sst s1;
	(tag) =	ssettag s2;
	_ =	strace s9  }
0x27: {  	s1 =	sld [smem:$0x3FAF]  }
0x28: {  	s2 =	sld [smem:$0x3FB0]  }
0x29: {  	s4 =	sld [smem:$0x3FB2]  }
0x2a: {  	p0 =	seq.s32 s5, $0x0;
	s5 =	sld [smem:$0x3FB3]  }
0x2b: {  	s6 =	sld [smem:$0x3FB4]  }
0x2c: {  	s7 =	sld [smem:$0x3FB5]  }
0x2d: {  	s3 =	simm.s32 $0x108;
	s8 =	sld [smem:$0x3FB6]  }
0x2e: {  	s3 =	simm.s32 @!p0 $0x1082;
	s9 =	sld [smem:$0x3FB7]  }
0x2f: {  	lr =	sadd.s32 s0, s3;
	s0 =	sld [smem:$0x3FAE]  }
0x30: {  	s3 =	sld [smem:$0x3FB1]  }
0x31: {  	[smem:$0x3FBA] =	sst s10  }
0x32: {  	s10 =	sld [smem:$0x3FB8];
	_ =	sdelay $0x3  }
0x33: {  	p0 =	seq.s32 s10, $0x1;
	s10 =	sld [smem:$0x3FBA];
	_ =	sdelay $0x3  }
0x34: {  	[smem:$0x3FBA] =	sst s10  }
0x35: {  	s10 =	sld [smem:$0x3FB9];
	_ =	sdelay $0x3  }
0x36: {  	p1 =	seq.s32 s10, $0x1;
	s10 =	sld [smem:$0x3FBA];
	_ =	sdelay $0x3  }
0x37: {  	[smem:$0x3FBA] =	sst s10  }
0x38: {  	s10 =	sld [smem:$0x3FBB]  }
0x39: {  	_ = 	snop;
	(pc) =	sbr.ind lr, $3  }
0x3a: {  	_ = 	snop  }
0x3b: {  	_ = 	snop  }
0x3c: {  	p2 =	seq.s32 s10, $0x1;
	s10 =	sld [smem:$0x3FBA]  }
0x3d: {  	_ =	shalt  }
0x3e: {  	_ =	shalt  }
0x3f: {  	_ =	shalt  }
0x40: {  	_ =	shalt  }
0x41: {  	_ =	shalt  }
0x42: {  	_ =	shalt  }
0x43: {  	_ =	shalt  }
0x44: {  	_ =	shalt  }
0x45: {  	_ =	shalt  }
0x46: {  	_ =	shalt  }
0x47: {  	_ =	shalt  }
0x48: {  	_ =	shalt  }
0x49: {  	_ =	shalt  }
0x4a: {  	_ =	shalt  }
0x4b: {  	_ =	shalt  }
0x4c: {  	_ =	shalt  }
0x4d: {  	_ =	shalt  }
0x4e: {  	_ =	shalt  }
0x4f: {  	_ =	shalt  }
0x50: {  	_ =	shalt  }
0x51: {  	_ =	shalt  }
0x52: {  	_ =	shalt  }
0x53: {  	_ =	shalt  }
0x54: {  	_ =	shalt  }
0x55: {  	_ =	shalt  }
0x56: {  	_ =	shalt  }
0x57: {  	_ =	shalt  }
0x58: {  	_ =	shalt  }
0x59: {  	_ =	shalt  }
0x5a: {  	_ =	shalt  }
0x5b: {  	_ =	shalt  }
0x5c: {  	_ =	shalt  }
0x5d: {  	_ =	shalt  }
0x5e: {  	_ =	shalt  }
0x5f: {  	_ =	shalt  }
0x60: {  	_ =	shalt  }
0x61: {  	_ =	shalt  }
0x62: {  	_ =	shalt  }
0x63: {  	_ =	shalt  }
0x64: {  	_ =	shalt  }
0x65: {  	_ =	shalt  }
0x66: {  	_ =	shalt  }
0x67: {  	_ =	shalt  }
0x68: {  	_ =	shalt  }
0x69: {  	_ =	shalt  }
0x6a: {  	_ =	shalt  }
0x6b: {  	_ =	shalt  }
0x6c: {  	_ =	shalt  }
0x6d: {  	_ =	shalt  }
0x6e: {  	_ =	shalt  }
0x6f: {  	_ =	shalt  }
0x70: {  	_ =	shalt  }
0x71: {  	_ =	shalt  }
0x72: {  	_ =	shalt  }
0x73: {  	_ =	shalt  }
0x74: {  	_ =	shalt  }
0x75: {  	_ =	shalt  }
0x76: {  	_ =	shalt  }
0x77: {  	_ =	shalt  }
0x78: {  	_ =	shalt  }
0x79: {  	_ =	shalt  }
0x7a: {  	_ =	shalt  }
0x7b: {  	_ =	shalt  }
0x7c: {  	_ =	shalt  }
0x7d: {  	_ =	shalt  }
0x7e: {  	_ =	shalt  }
0x7f: {  	_ =	shalt  }
0x80: {  	_ =	shalt  }
0x81: {  	_ =	shalt  }
0x82: {  	_ =	shalt  }
0x83: {  	_ =	shalt  }
0x84: {  	_ =	shalt  }
0x85: {  	_ =	shalt  }
0x86: {  	_ =	shalt  }
0x87: {  	_ =	shalt  }
.Lfunc_end0:
.L_simem_size_0:
called_computation_lowered:
.L_overlay_start_0:
0x88: {  	s2 =	sld [smem:$0x3FD9]  }
0x89: {  	s3 =	sld [smem:$0x3FFE];
	_ =	sdelay $0x1  }
0x8a: {  	s1 =	srdreg.scid  }
0x8b: {  	s0 =	sand.u32 $0x1, s1  }
0x8c: {  	s16 =	sshll.u32 s0, $0xA;
	s2 =	sadd.s32 s3, s2  }
0x8d: {  	s2 =	sadd.s32 s2, s16  }
0x8e: {  	[smem:$0x3FC6] =	sst s2  }
0x8f: {  	_ = 	snop  }
0x90: {  	(tm) =	ssettm $0x1  }
0x91: {  	s17 =	sld [smem:$0x3FFB];
	_ =	sdelay $0x3  }
0x92: {  	_ =	strace s17  }
0x93: {  	s2 =	sld [smem:$0x3FFC];
	_ =	sdelay $0x3  }
0x94: {  	_ =	strace s2  }
0x95: {  	s2 =	sld [smem:$0x3FFD];
	_ =	sdelay $0x3  }
0x96: {  	_ =	strace s2  }
0x97: {  	_ =	strace $0x8FFFFFFF  }
0x98: {  	s18 =	sld [smem:$0x3FDB];
	_ =	sdelay $0x1  }
0x99: {  	s19 =	simm.s32 $_scs_section_size  }
0x9a: {  	s4 =	simm.s32 $_size__tile_overlayer_lowered;
	s5 =	simm.s32 $_tile_overlayer_lowered  }
0x9b: {  	s22 =	simm.s32 $0x1BFF;
	s21 =	sshll.u32 s5, $0x1;
	s2 =	sadd.s32 s19, s18  }
0x9c: {  	s6 =	simm.s32 $0x0;
	s20 =	sshll.u32 s4, $0x1;
	s4 =	sadd.s32 s21, s2  }
0x9d: {  	[timem:s6], [sflag:s22] =	dma.local [hbm:s4], s20  }
0x9e: {  	_ =	swait.ge [sflag:s22], s20  }
0x9f: {  	s3 =	ssub.s32 $0x0, s20;
	[sflag:s22] =	ssyncset.done $0x0  }
0xa0: {  	[sflag:s22] =	ssyncadd.s32 s3;
	_ =	sdelay $0x1  }
0xa1: {  	s23 =	simm.s32 $0x1B8B  }
0xa2: {  	_ =	swait.ge [sflag:s23], $0x1  }
0xa3: {  	[sflag:s23] =	ssyncset.done $0x0  }
0xa4: {  	s25 =	simm.s32 $0x1B8E;
	s24 =	sld [smem:$0x3FFE];
	[sflag:s23] =	ssyncadd.s32 $0xFFFFFFFF  }
0xa5: {  	s26 =	simm.s32 $execute0_lowered;
	[smem:$0x3FD2] =	sst s25  }
0xa6: {  	s4 =	sshll.u32 s26, $0x1;
	_ =	strace $0x80000046;
	[dreg:$0x1] =	wrdreg $0xFFFFFFFF  }
0xa7: {  	s28 =	simm.s32 $_size_execute0_lowered;
	s2 =	sadd.s32 s2, s4;
	[dreg:$0x0] =	wrdreg $0x0  }
0xa8: {  	s4 =	sshll.u32 s28, $0x1;
	[dreg:$0x2] =	wrdreg s2  }
0xa9: {  	[dreg:$0x3] =	wrdreg s4  }
0xaa: {  	[dreg:$0x4] =	wrdreg $0xC0  }
0xab: {  	_ =	task [dreg:s6], $0x5FFFF  }
0xac: {  	[dreg:$0x1] =	wrdreg $0xFFFFFFFF  }
0xad: {  	[dreg:$0x0] =	wrdreg $0x60  }
0xae: {  	[dreg:$0x2] =	wrdreg s24  }
0xaf: {  	[dreg:$0x3] =	wrdreg $0x9  }
0xb0: {  	_ =	task.clear_ibuf [dreg:s6], $0x4FFFF;
	_ =	strace $0x90000046  }
0xb1: {  	s29 =	simm.s32 $0x9;
	_ =	strace $0x80000053  }
0xb2: {  	_ =	swait.ge [sflag:s29], $0x1  }
0xb3: {  	[sflag:s29] =	ssyncadd.s32 $0xFFFFFFFF  }
0xb4: {  	_ =	strace $0x90000053  }
0xb5: {  	_ =	sfence  }
0xb6: {  	s30 =	sld [smem:$0x0];
	_ =	sdelay $0x2  }
0xb7: {  	s31 =	sshll.u32 s1, $0xD;
	s1 =	sshrl.u32 s1, $0x2  }
0xb8: {  	s3 =	sand.u32 $0x4000, s31;
	s1 =	sadd.s32 s1, s30  }
0xb9: {  	s0 =	sor.u32 s3, s0;
	s1 =	sshll.u32 s1, $0x11  }
0xba: {  	s0 =	sor.u32 s1, s0  }
0xbb: {  	s0 =	sadd.s32 $0x8F2B, s0  }
0xbc: {  	[sflag:s0] =	ssyncadd.remote.s32 $0x1  }
0xbd: {  	_ =	sfence.sel $0xFFFF  }
0xbe: {  	[dreg:$0x0] =	wrdreg $0xFFFFFFFF;
	(pc) =	sbr.abs _section_cstart, $3  }
0xbf: {  	[dreg:$0x1] =	wrdreg $0xFFFFFFFF  }
0xc0: {  	_ =	task.clear_ibuf [dreg:s6], $0x2FFFF;
	_ =	strace $0x9FFFFFFF  }
0xc1: {  	(tm) =	ssettm $0x7FFFFFFF  }
tec
execute0_lowered:
.L_overlay_start_1:
0x0: {  	(tag) =	ssettag $0x1  }
0x1: {  	s0 =	rddreg [dreg:$0x0]  }
0x2: {  	s1 =	simm.s32 $0x0;
	s28 =	srdreg.scid;
	s6 =	stileid.u32  }
0x3: {  	[smem:$0x7FF] =	sst s1;
	s3 =	sadd.s32 $0x600, s0;
	s1 =	sand.u32 $0x1, s28  }
0x4: {  	s4 =	sadd.s32 $0xC38600, s0;
	s5 =	sadd.s32 $0xC3C600, s0;
	s2 =	sshll.u32 s1, $0x4  }
0x5: {  	s1 =	ssub.s32 $0x2, s1;
	s2 =	sor.u32 s6, s2;
	s6 =	sadd.s32 $0xC3CA00, s0  }
.Ltmp0:
0x6: {  	s29 =	sshrl.u32 s1, $0x1;
	s30 =	sshll.u32 s2, $0x9;
	(pc) =	sbr.rel .LBB2_1-.Ltmp0, $4  }
0x7: {  	s8 =	smul.u32 $0x61C00, s2;
	s0 =	ssub.s32 s1, s29;
	s1 =	sadd.s32 s4, s30  }
0x8: {  	_ =	strace $0x80000047;
	s0 =	smax.u32 s0, $0x1;
	[dreg:$0x3] =	wrdreg s1  }
0x9: {  	s31 =	sadd.s32 s3, s8;
	[dreg:$0x4] =	wrdreg s0  }
0xa: {  	v0 =	vimm.f32 $-Inf;
	v1 =	vlaneseq.u32;
	s7 =	sshll.u32 s2, $0x2;
	s1 =	simm.s32 $0x0;
	[dreg:$0x2] =	wrdreg s31  }
.LBB2_9:
0xb: {  	s0 =	sand.u32 $0x1, s14  }
0xc: {  	_ =	strace $0x80000052;
	s0 =	sadd.s32 $0x7, s0  }
0xd: {  	_ =	swait.ge [sflag:s0], $0x400  }
0xe: {  	s1 =	rddreg [dreg:$0x5]  }
0xf: {  	s31 =	rddreg [dreg:$0x4];
	s1 =	sadd.s32 $0x1, s1  }
0x10: {  	p0 =	sne.s32 s1, s31  }
.Ltmp1:
0x11: {  	_ = 	snop;
	(pc) =	sbr.rel @!p0 .LBB2_10-.Ltmp1, $4  }
0x12: {  	_ = 	snop  }
0x13: {  	[sflag:s0] =	ssyncset.done $0x0  }
0x14: {  	[sflag:s0] =	ssyncadd.s32 $0xFFFFFC00  }
0x15: {  	_ =	strace $0x90000052  }
.LBB2_1:
0x16: {  	[dreg:$0x5] =	wrdreg s1;
	s0 =	simm.s32 $0x0  }
0x17: {  	s2 =	simm.s32 $0x8000;
	s31 =	simm.s32 $0x8800;
	s25 =	simm.s32 $0x0  }
0x18: {  	s14 =	simm.s32 $0x0;
	s15 =	simm.s32 $0x0;
	_ =	strace $0x80000048  }
0x19: {  	s16 =	simm.s32 $0x0;
	s17 =	simm.s32 $0x1;
	s29 =	rddreg [dreg:$0x2]  }
0x1a: {  	[tilespmem:s0], [sflag:$0x1] =	stream.linear.gather [hbm4b:s29+s0], $0x4000, $0x200038;
	[tilespmem:$0x9100] =	vst v63  }
.Ltmp2:
0x1b: {  	s18 =	simm.s32 $0x0;
	s30 =	rddreg [dreg:$0x3];
	(pc) =	sbr.rel .LBB2_2-.Ltmp2, $4  }
0x1c: {  	[tilespmem:s2], [sflag:$0x3] =	stream.linear.gather [hbm4b:s30+s0], $0x400, $0x200038;
	[tilespmem:$0x9100] =	vst v63  }
0x1d: {  	s19 =	simm.s32 $0x1;
	s20 =	simm.s32 $0x0;
	s21 =	simm.s32 $0x1  }
0x1e: {  	[tilespmem:s31], [sflag:$0x5] =	stream.linear.gather [hbm4b:s5+s0], $0x80, $0x200038;
	[tilespmem:$0x9100] =	vst v63  }
0x1f: {  	s22 =	simm.s32 $0x0;
	s0 =	simm.s32 $0x0;
	_ =	strace $0x90000048  }
.LBB2_8:
0x20: {  	s0 =	sld [smem:$0x7FC];
	_ =	sdelay $0x2  }
0x21: {  	p4 =	seq.s32 s22, $0xBF;
	p0 =	seq.s32 s0, $0x1  }
0x22: {  	p2 =	por p4, p0  }
0x23: {  	s0 =	smul.u32 @p2 $0xC000, s26  }
0x24: {  	s1 =	sshll.u32 @p2 s25, $0xA  }
0x25: {  	_ =	strace $0x9000004F;
	s0 =	sadd.s32 @p2 s1, s0  }
0x26: {  	_ =	strace @p2 $0x80000050;
	s0 =	sshrl.u32 @p2 s0, $0x3  }
0x27: {  	s2 =	simm.s32 @p2 $0x0;
	s1 =	sadd.s32 @p2 $0x7, s28;
	s0 =	sadd.s32 @p2 s6, s0  }
0x28: {  	[hbm4b:s0+s2] =	stream.linear.scatter @p2 [tilespmem:s11], [sflag:s1], $0x400, $0x200038;
	[tilespmem:$0x9100] =	vst v63  }
0x29: {  	s0 =	sand.u32 @!p3 $0x1, s14;
	_ =	strace @p2 $0x90000050  }
0x2a: {  	s0 =	sadd.s32 @!p3 $0x7, s0;
	_ =	strace @!p3 $0x80000051  }
0x2b: {  	_ =	swait.ge @!p3 [sflag:s0], $0x400  }
0x2c: {  	p0 =	sne.s32 s22, $0x0;
	[sflag:s0] =	ssyncset.done @!p3 $0x0  }
0x2d: {  	s22 =	sadd.s32 $0x1, s22;
	[sflag:s0] =	ssyncadd.s32 @!p3 $0xFFFFFC00;
	s0 =	simm.s32 $0x1  }
0x2e: {  	_ =	strace @!p3 $0x90000051;
	s0 =	simm.s32 @!p0 $0x0;
	p0 =	por p4, p1  }
0x2f: {  	s14 =	sadd.s32 s0, s14;
	s0 =	simm.s32 $0x1;
	s31 =	sld [smem:$0x7FD]  }
0x30: {  	s0 =	simm.s32 @!p0 $0x0;
	p0 =	sne.s32 s22, $0xC0  }
.Ltmp3:
0x31: {  	_ = 	snop;
	(pc) =	sbr.rel @!p0 .LBB2_9-.Ltmp3, $4  }
0x32: {  	s25 =	smov.u32 s23;
	s1 =	simm.s32 $0x1;
	p6 =	seq.s32 s31, $0x1  }
0x33: {  	s2 =	simm.s32 $0x1;
	s1 =	simm.s32 @!p2 $0x0;
	p1 =	por p4, p6  }
0x34: {  	s15 =	sadd.s32 s1, s15;
	s20 =	sadd.s32 s1, s20;
	s2 =	simm.s32 @!p1 $0x0  }
0x35: {  	s18 =	sadd.s32 s0, s18;
	s0 =	smov.u32 s24;
	s16 =	sadd.s32 s2, s16  }
.LBB2_2:
0x36: {  	s23 =	sadd.s32 $0x1, s25  }
0x37: {  	s1 =	simm.s32 $0x1;
	p0 =	seq.s32 s23, $0x30  }
0x38: {  	s1 =	simm.s32 @!p0 $0x0  }
0x39: {  	s24 =	sadd.s32 s1, s0  }
0x3a: {  	p1 =	seq.s32 s24, $0x4  }
0x3b: {  	s23 =	simm.s32 @p0 $0x0;
	s24 =	simm.s32 @p1 $0x0  }
0x3c: {  	p0 =	sne.s32 s25, s23;
	p1 =	sne.s32 s0, s24  }
0x3d: {  	p2 =	por p0, p1  }
0x3e: {  	p3 =	sne.s32 s22, $0xBF;
	s1 =	simm.s32 @!p2 $0x0  }
0x3f: {  	p5 =	por !p3, !p1;
	p4 =	por !p3, !p2;
	s1 =	simm.s32 @p2 $0x1  }
0x40: {  	p4 =	por !p4, !p4;
	[smem:$0x7FC] =	sst s1;
	s1 =	sadd.s32 s7, s24  }
0x41: {  	p5 =	por !p5, !p5;
	s2 =	smul.u32 @p4 $0xC3800, s1  }
0x42: {  	p3 =	por !p3, !p0;
	s8 =	sshll.u32 @p4 s23, $0xE;
	s9 =	sand.u32 @p4 $0x1, s21  }
0x43: {  	s10 =	simm.s32 @p4 $0x0;
	s1 =	sshll.u32 @p5 s1, $0x7;
	s2 =	sadd.s32 @p4 s8, s2  }
0x44: {  	_ =	strace @p4 $0x80000049;
	s1 =	sand.u32 @p5 $0x1FFFFF80, s1;
	s2 =	sshrl.u32 @p4 s2, $0x3  }
0x45: {  	s8 =	sadd.s32 @p4 $0x1, s9;
	s9 =	sshll.u32 @p4 s9, $0xE;
	s2 =	sadd.s32 @p4 s3, s2  }
0x46: {  	[tilespmem:s9], [sflag:s8] =	stream.linear.gather @p4 [hbm4b:s2+s10], $0x4000, $0x200038;
	[tilespmem:$0x9100] =	vst v63  }
0x47: {  	p6 =	por !p3, !p3;
	s1 =	sadd.s32 @p5 s4, s1;
	s2 =	sand.u32 @p5 $0x1, s19  }
0x48: {  	s9 =	simm.s32 @p5 $0x0;
	_ =	strace @p4 $0x90000049;
	s8 =	sshll.u32 @p5 s2, $0xA  }
0x49: {  	s2 =	sadd.s32 @p5 $0x3, s2;
	_ =	strace @p5 $0x8000004A;
	s8 =	sor.u32 @p5 $0x8000, s8  }
0x4a: {  	[tilespmem:s8], [sflag:s2] =	stream.linear.gather @p5 [hbm4b:s1+s9], $0x400, $0x200038;
	[tilespmem:$0x9100] =	vst v63  }
0x4b: {  	p3 =	seq.s32 s25, $0x0;
	s10 =	simm.s32 @p6 $0x0;
	s1 =	simm.s32 @!p0 $0x0  }
0x4c: {  	s8 =	sshll.u32 @p6 s23, $0x4;
	s9 =	simm.s32 $0x1;
	s1 =	simm.s32 @p0 $0x1  }
0x4d: {  	s8 =	sand.u32 @p6 $0x1FFFFFF0, s8;
	[smem:$0x7FD] =	sst s1;
	s1 =	sand.u32 @p6 $0x1, s17  }
0x4e: {  	s8 =	sadd.s32 @p6 s5, s8;
	_ =	strace @p5 $0x9000004A;
	s2 =	sshll.u32 @p6 s1, $0x7  }
0x4f: {  	s1 =	sadd.s32 @p6 $0x5, s1;
	_ =	strace @p6 $0x8000004B;
	s2 =	sor.u32 @p6 $0x8800, s2  }
0x50: {  	[tilespmem:s2], [sflag:s1] =	stream.linear.gather @p6 [hbm4b:s8+s10], $0x80, $0x200038;
	[tilespmem:$0x9100] =	vst v63  }
0x51: {  	s11 =	sand.u32 $0x1, s20;
	s9 =	simm.s32 @!p3 $0x0;
	_ =	strace @p6 $0x9000004B  }
0x52: {  	s13 =	sadd.s32 $0x1, s11;
	s12 =	ssub.s32 s0, s9;
	_ =	strace $0x8000004C  }
0x53: {  	p0 =	sne.s32 s0, $0x3;
	p2 =	seq.s32 s12, $0xFFFFFFFF;
	_ =	swait.ge [sflag:s13], $0x4000  }
0x54: {  	p0 =	por @!p2 p3, p3;
	p3 =	seq.s32 s22, $0x0;
	[sflag:s13] =	ssyncset.done $0x0  }
0x55: {  	p0 =	por p3, p0;
	[sflag:s13] =	ssyncadd.s32 $0xFFFFC000  }
0x56: {  	s2 =	sand.u32 @p0 $0x1, s18;
	_ =	strace $0x9000004C  }
0x57: {  	s2 =	sadd.s32 @p0 $0x3, s2;
	_ =	strace @p0 $0x8000004D  }
0x58: {  	_ =	swait.ge @p0 [sflag:s2], $0x400  }
0x59: {  	[sflag:s2] =	ssyncset.done @p0 $0x0  }
0x5a: {  	[sflag:s2] =	ssyncadd.s32 @p0 $0xFFFFFC00  }
0x5b: {  	s26 =	sand.u32 $0x1, s16;
	_ =	strace @p0 $0x9000004D  }
0x5c: {  	s2 =	sadd.s32 $0x5, s26;
	_ =	strace $0x8000004E  }
0x5d: {  	_ =	swait.ge [sflag:s2], $0x80  }
0x5e: {  	[sflag:s2] =	ssyncset.done $0x0  }
0x5f: {  	[sflag:s2] =	ssyncadd.s32 $0xFFFFFF80  }
0x60: {  	s8 =	sshll.u32 s16, $0x7;
	_ =	strace $0x9000004E  }
0x61: {  	s2 =	sand.u32 $0x80, s8;
	_ =	strace $0x8000004F  }
0x62: {  	v2 =	vld [tilespmem:s2+$0x8800];
	_ =	sdelay $0x4  }
0x63: {  	(v2sf) =	vpush v2, $0x0;
	_ =	sdelay $0x8  }
0x64: {  	s28 =	sand.u32 $0x1, s15;
	s30 =	sshll.u32 s11, $0xE  }
0x65: {  	s12 =	sshll.u32 s28, $0xA;
	s26 =	sadd.s32 s7, s0;
	s0 =	simm.s32 $0x1  }
0x66: {  	s9 =	sshll.u32 s18, $0xA;
	s11 =	sor.u32 $0x8900, s12;
	s0 =	simm.s32 @!p4 $0x0  }
.Ltmp4:
0x67: {  	s21 =	sadd.s32 s0, s21;
	s0 =	sand.u32 $0x400, s9;
	(pc) =	sbr.rel .LBB2_3-.Ltmp4, $4  }
0x68: {  	s29 =	smov.u32 s11;
	s13 =	sor.u32 $0x8000, s0;
	s8 =	simm.s32 $0x1  }
0x69: {  	s0 =	sor.u32 $0x800, s30;
	s8 =	simm.s32 @!p6 $0x0;
	s2 =	simm.s32 $0x1  }
0x6a: {  	s17 =	sadd.s32 s8, s17;
	s2 =	simm.s32 @!p5 $0x0;
	s10 =	spop (v2sf)  }
0x6b: {  	v3 =	vmov s13;
	s19 =	sadd.s32 s2, s19;
	s2 =	simm.s32 $0x0;
	v2 =	vmov s11;
	s31 =	sshll.u32 s10, $0xB  }
.LBB2_7:
0x6c: {  	s2 =	sadd.s32 $0x1, s2  }
0x6d: {  	p0 =	sne.s32 s2, $0x8  }
.Ltmp5:
0x6e: {  	_ = 	snop;
	(pc) =	sbr.rel @!p0 .LBB2_8-.Ltmp5, $2  }
0x6f: {  	_ =	sdelay $0x2  }
0x70: {  	s29 =	sadd.s32 $0x80, s29;
	s0 =	sadd.s32 $0x80, s0  }
.LBB2_3:
0x71: {  	v5 =	vld [tilespmem:s0+$0xFFFFF810];
	s12 =	sshll.u32 s2, $0x7  }
0x72: {  	v4 =	vmov s29;
	v6 =	vld [tilespmem:s0+$0xFFFFF800];
	s1 =	simm.s32 $0x40;
	s9 =	smov.u32 s0;
	s8 =	simm.s32 $0x0  }
.LBB2_4:
0x73: {  	p4 =	sne.s32 s1, $0xC0;
	v7 =	vld [tilespmem:s9+$0xFFFFF820]  }
0x74: {  	v8 =	vld [tilespmem:s9+$0xFFFFF830]  }
0x75: {  	v9 =	vld [tilespmem:s9+$0xFFFFF840]  }
0x76: {  	v10 =	vld [tilespmem:s9+$0xFFFFF850]  }
0x77: {  	v11 =	vld [tilespmem:s9+$0xFFFFF860];
	v5 =	vmax.f32 v6, v5  }
0x78: {  	v6 =	vld [tilespmem:s9+$0xFFFFF870];
	v5 =	vmax.f32 v5, v7  }
0x79: {  	v7 =	vld [tilespmem:s9+$0xFFFFFC00];
	v5 =	vmax.f32 v5, v8  }
0x7a: {  	v8 =	vld [tilespmem:s9+$0xFFFFFC10];
	v5 =	vmax.f32 v5, v9  }
0x7b: {  	v9 =	vld [tilespmem:s9+$0xFFFFFC20];
	v5 =	vmax.f32 v5, v10  }
0x7c: {  	v10 =	vld [tilespmem:s9+$0xFFFFFC30];
	v5 =	vmax.f32 v5, v11  }
0x7d: {  	v11 =	vld [tilespmem:s9+$0xFFFFFC40];
	v5 =	vmax.f32 v5, v6  }
0x7e: {  	v6 =	vld [tilespmem:s9+$0xFFFFFC50];
	v5 =	vmax.f32 v5, v7  }
0x7f: {  	v7 =	vld [tilespmem:s9+$0xFFFFFC60];
	v5 =	vmax.f32 v5, v8  }
0x80: {  	v8 =	vld [tilespmem:s9+$0xFFFFFC70];
	v5 =	vmax.f32 v5, v9  }
0x81: {  	v9 =	vld [tilespmem:s9+$0x0];
	v5 =	vmax.f32 v5, v10  }
0x82: {  	v10 =	vld [tilespmem:s9+$0x10];
	v5 =	vmax.f32 v5, v11  }
0x83: {  	v11 =	vld [tilespmem:s9+$0x20];
	v5 =	vmax.f32 v5, v6  }
0x84: {  	v6 =	vld [tilespmem:s9+$0x30];
	v5 =	vmax.f32 v5, v7  }
0x85: {  	v7 =	vld [tilespmem:s9+$0x40];
	v5 =	vmax.f32 v5, v8  }
0x86: {  	v8 =	vld [tilespmem:s9+$0x50];
	v5 =	vmax.f32 v5, v9  }
0x87: {  	v9 =	vld [tilespmem:s9+$0x60];
	v5 =	vmax.f32 v5, v10  }
0x88: {  	v10 =	vld [tilespmem:s9+$0x70];
	v5 =	vmax.f32 v5, v11  }
0x89: {  	v11 =	vld [tilespmem:s9+$0x400];
	v5 =	vmax.f32 v5, v6  }
0x8a: {  	v6 =	vld [tilespmem:s9+$0x410];
	v5 =	vmax.f32 v5, v7  }
0x8b: {  	v7 =	vld [tilespmem:s9+$0x420];
	v5 =	vmax.f32 v5, v8  }
0x8c: {  	v8 =	vld [tilespmem:s9+$0x430];
	v5 =	vmax.f32 v5, v9  }
0x8d: {  	v9 =	vld [tilespmem:s9+$0x440];
	v5 =	vmax.f32 v5, v10  }
0x8e: {  	v10 =	vld [tilespmem:s9+$0x450];
	v5 =	vmax.f32 v5, v11  }
0x8f: {  	v11 =	vld [tilespmem:s9+$0x460];
	v5 =	vmax.f32 v5, v6  }
0x90: {  	v6 =	vld [tilespmem:s9+$0x470];
	v5 =	vmax.f32 v5, v7  }
0x91: {  	v5 =	vmax.f32 v5, v8  }
0x92: {  	v5 =	vmax.f32 v5, v9  }
0x93: {  	v5 =	vmax.f32 v5, v10  }
.Ltmp6:
0x94: {  	v5 =	vmax.f32 v5, v11;
	(pc) =	sbr.rel @p4 .LBB2_4-.Ltmp6, $4  }
0x95: {  	s10 =	sshra.s32 s8, $0x2;
	s8 =	smov.u32 s1;
	v5 =	vmax.f32 v5, v6  }
0x96: {  	s9 =	sadd.s32 $0x1000, s9;
	[tilespmem:v4+s10+$0x0 ss:$0x1] =	vst.idx.msk $0xffff, v5  }
0x97: {  	v5 =	vld [tilespmem:s9+$0xFFFFF810]  }
0x98: {  	s1 =	sadd.s32 $0x40, s1;
	v6 =	vld [tilespmem:s9+$0xFFFFF800]  }
0x99: {  	v7 =	vld [tilespmem:s9+$0xFFFFF820]  }
0x9a: {  	v8 =	vld [tilespmem:s9+$0xFFFFF830]  }
0x9b: {  	v9 =	vld [tilespmem:s9+$0xFFFFF840]  }
0x9c: {  	v10 =	vld [tilespmem:s9+$0xFFFFF850]  }
0x9d: {  	v11 =	vld [tilespmem:s9+$0xFFFFF860];
	v5 =	vmax.f32 v6, v5  }
0x9e: {  	v39 =	vld [tilespmem:s9+$0xFFFFF870];
	v5 =	vmax.f32 v5, v7  }
0x9f: {  	v40 =	vld [tilespmem:s9+$0xFFFFFC00];
	v5 =	vmax.f32 v5, v8  }
0xa0: {  	v41 =	vld [tilespmem:s9+$0xFFFFFC10];
	v5 =	vmax.f32 v5, v9  }
0xa1: {  	v42 =	vld [tilespmem:s9+$0xFFFFFC20];
	v5 =	vmax.f32 v5, v10  }
0xa2: {  	v43 =	vld [tilespmem:s9+$0xFFFFFC30];
	v5 =	vmax.f32 v5, v11  }
0xa3: {  	v44 =	vld [tilespmem:s9+$0xFFFFFC40];
	v5 =	vmax.f32 v5, v39  }
0xa4: {  	v45 =	vld [tilespmem:s9+$0xFFFFFC50];
	v5 =	vmax.f32 v5, v40  }
0xa5: {  	v46 =	vld [tilespmem:s9+$0xFFFFFC60];
	v5 =	vmax.f32 v5, v41  }
0xa6: {  	v47 =	vld [tilespmem:s9+$0xFFFFFC70];
	v5 =	vmax.f32 v5, v42  }
0xa7: {  	v48 =	vld [tilespmem:s9+$0x0];
	v5 =	vmax.f32 v5, v43  }
0xa8: {  	v49 =	vld [tilespmem:s9+$0x10];
	v5 =	vmax.f32 v5, v44  }
0xa9: {  	v50 =	vld [tilespmem:s9+$0x20];
	v5 =	vmax.f32 v5, v45  }
0xaa: {  	v51 =	vld [tilespmem:s9+$0x30];
	v5 =	vmax.f32 v5, v46  }
0xab: {  	v52 =	vld [tilespmem:s9+$0x40];
	v5 =	vmax.f32 v5, v47  }
0xac: {  	v53 =	vld [tilespmem:s9+$0x50];
	v5 =	vmax.f32 v5, v48  }
0xad: {  	v54 =	vld [tilespmem:s9+$0x60];
	v5 =	vmax.f32 v5, v49  }
0xae: {  	v55 =	vld [tilespmem:s9+$0x70];
	v5 =	vmax.f32 v5, v50  }
0xaf: {  	v56 =	vld [tilespmem:s9+$0x400];
	v5 =	vmax.f32 v5, v51  }
0xb0: {  	v57 =	vld [tilespmem:s9+$0x410];
	v5 =	vmax.f32 v5, v52  }
0xb1: {  	v58 =	vld [tilespmem:s9+$0x420];
	v5 =	vmax.f32 v5, v53  }
0xb2: {  	v59 =	vld [tilespmem:s9+$0x430];
	v5 =	vmax.f32 v5, v54  }
0xb3: {  	v60 =	vld [tilespmem:s9+$0x440];
	v5 =	vmax.f32 v5, v55  }
0xb4: {  	v61 =	vld [tilespmem:s9+$0x450];
	v5 =	vmax.f32 v5, v56  }
0xb5: {  	v62 =	vld [tilespmem:s9+$0x460];
	v5 =	vmax.f32 v5, v57  }
0xb6: {  	v63 =	vld [tilespmem:s9+$0x470];
	v5 =	vmax.f32 v5, v58  }
0xb7: {  	v5 =	vmax.f32 v5, v59  }
0xb8: {  	v5 =	vmax.f32 v5, v60  }
0xb9: {  	v5 =	vmax.f32 v5, v61  }
0xba: {  	v5 =	vmax.f32 v5, v62  }
0xbb: {  	s1 =	sshra.s32 s8, $0x2;
	v5 =	vmax.f32 v5, v63  }
0xbc: {  	[tilespmem:v4+s1+$0x0 ss:$0x1] =	vst.idx.msk $0xffff, v5  }
0xbd: {  	[tilespmem:v2+s12+$0x40 ss:$0x1] =	vst.idx.msk $0xffff, v0  }
0xbe: {  	[tilespmem:v2+s12+$0x50 ss:$0x1] =	vst.idx.msk $0xffff, v0  }
0xbf: {  	[tilespmem:v2+s12+$0x60 ss:$0x1] =	vst.idx.msk $0xffff, v0  }
0xc0: {  	[tilespmem:v2+s12+$0x70 ss:$0x1] =	vst.idx.msk $0xffff, v0  }
0xc1: {  	v4 =	vld.idx.msk [tilespmem:v3+s12+$0x0 ss:$0x1], $0xffff;
	_ =	sdelay $0x4  }
0xc2: {  	(v2sf) =	vpush v4, $0x0;
	_ =	sdelay $0xe  }
0xc3: {  	s1 =	spop (v2sf)  }
0xc4: {  	s9 =	ssub.s32 s1, s31  }
0xc5: {  	p0 =	sgt.u32 s9, $0x7FF  }
.Ltmp7:
0xc6: {  	_ = 	snop;
	(pc) =	sbr.rel @p0 .LBB2_7-.Ltmp7, $2  }
0xc7: {  	_ =	sdelay $0x2  }
0xc8: {  	s8 =	sadd.s32 s12, s11  }
0xc9: {  	s10 =	sand.u32 $0xF, s1  }
0xca: {  	p0 =	seq.s32 s1, s31;
	p2 =	sne.s32 s10, $0x0  }
0xcb: {  	p2 =	por !p0, !p2  }
0xcc: {  	s10 =	simm.s32 $0xFFFFFFFF;
	p2 =	por !p2, !p2  }
0xcd: {  	s10 =	simm.s32 @!p2 $0x0  }
0xce: {  	s10 =	sshll.u32 s10, $0x4  }
0xcf: {  	s10 =	sadd.s32 s9, s10  }
0xd0: {  	s1 =	sand.u32 $0x1FF, s1;
	s13 =	sshll.u32 s10, $0x3  }
0xd1: {  	p6 =	sne.s32 s1, $0x0;
	s13 =	sand.u32 $0xFFFFFC00, s13  }
0xd2: {  	p0 =	por !p0, !p6;
	s1 =	sand.u32 $0x70, s10;
	s13 =	sadd.s32 s13, s30  }
0xd3: {  	p0 =	por !p0, !p0;
	s1 =	sadd.s32 s1, s13;
	s13 =	simm.s32 $0xFFFFFFFF  }
0xd4: {  	s1 =	sadd.s32 s12, s1;
	s13 =	simm.s32 @!p0 $0x0  }
0xd5: {  	v4 =	vld [tilespmem:s1+$0x0];
	s1 =	sshll.u32 s13, $0x9  }
0xd6: {  	s13 =	sand.u32 $0xFFFFFFF0, s10;
	s10 =	sadd.s32 s9, s1  }
0xd7: {  	s1 =	ssub.s32 s9, s13;
	s13 =	sand.u32 $0xFFFFFE00, s10  }
0xd8: {  	v5 =	vmov s1;
	s1 =	sshll.u32 s13, $0x5  }
0xd9: {  	vm0 =	veq.s32 v5, v1;
	s1 =	sshra.s32 s1, $0x2  }
0xda: {  	v4 =	vnsel vm0, $0xFF800000, v4;
	s1 =	sadd.s32 s1, s30  }
0xdb: {  	[tilespmem:s8+$0x40] =	vst v4;
	s1 =	sadd.s32 s12, s1  }
0xdc: {  	v4 =	vld [tilespmem:s1+$0x10]  }
0xdd: {  	s9 =	ssub.s32 s9, s13;
	v5 =	vld [tilespmem:s1+$0x0]  }
0xde: {  	s13 =	sadd.s32 $0xFFFFFFF0, s9  }
0xdf: {  	v6 =	vmov s13;
	v7 =	vld [tilespmem:s1+$0x20]  }
0xe0: {  	vm8 =	veq.s32 v6, v1  }
0xe1: {  	v58 =	vmov s9;
	v8 =	vld [tilespmem:s1+$0x30];
	v4 =	vsel vm8, $0xFF800000, v4  }
0xe2: {  	vm9 =	veq.s32 v58, v1;
	s13 =	sadd.s32 $0xFFFFFFE0, s9;
	v5 =	vmax.f32 v5, v4  }
0xe3: {  	v59 =	vmov s13;
	v9 =	vld [tilespmem:s1+$0x40];
	v4 =	vsel vm9, v4, v5  }
0xe4: {  	s13 =	sadd.s32 $0xFFFFFFD0, s9;
	vm10 =	veq.s32 v59, v1;
	v5 =	vmax.f32 v4, v7  }
0xe5: {  	v60 =	vmov s13;
	v61 =	vld [tilespmem:s1+$0x50];
	v4 =	vsel vm10, v4, v5  }
0xe6: {  	s13 =	sadd.s32 $0xFFFFFFC0, s9;
	vm11 =	veq.s32 v60, v1;
	v5 =	vmax.f32 v4, v8  }
0xe7: {  	v63 =	vld [tilespmem:s1+$0x60];
	v62 =	vmov s13;
	v4 =	vsel vm11, v4, v5  }
0xe8: {  	s13 =	sadd.s32 $0xFFFFFFB0, s9;
	vm12 =	veq.s32 v62, v1;
	v5 =	vmax.f32 v4, v9  }
0xe9: {  	v13 =	vld [tilespmem:s1+$0x70];
	v12 =	vmov s13;
	v4 =	vsel vm12, v4, v5  }
0xea: {  	s13 =	sadd.s32 $0xFFFFFFA0, s9;
	vm13 =	veq.s32 v12, v1;
	v5 =	vmax.f32 v4, v61  }
0xeb: {  	v15 =	vld [tilespmem:s1+$0x400];
	v14 =	vmov s13;
	v4 =	vsel vm13, v4, v5  }
0xec: {  	s13 =	sadd.s32 $0xFFFFFF90, s9;
	vm14 =	veq.s32 v14, v1;
	v5 =	vmax.f32 v4, v63  }
0xed: {  	v17 =	vld [tilespmem:s1+$0x410];
	v16 =	vmov s13;
	v4 =	vsel vm14, v4, v5  }
0xee: {  	s13 =	sadd.s32 $0xFFFFFF80, s9;
	vm15 =	veq.s32 v16, v1;
	v5 =	vmax.f32 v4, v13  }
0xef: {  	v19 =	vld [tilespmem:s1+$0x420];
	v18 =	vmov s13;
	v4 =	vsel vm15, v4, v5  }
0xf0: {  	s13 =	sadd.s32 $0xFFFFFF70, s9;
	vm4 =	veq.s32 v18, v1;
	v5 =	vmax.f32 v4, v15  }
0xf1: {  	v21 =	vld [tilespmem:s1+$0x430];
	v20 =	vmov s13;
	v4 =	vsel vm4, v4, v5  }
0xf2: {  	s13 =	sadd.s32 $0xFFFFFF60, s9;
	vm5 =	veq.s32 v20, v1;
	v5 =	vmax.f32 v4, v17  }
0xf3: {  	v23 =	vld [tilespmem:s1+$0x440];
	v22 =	vmov s13;
	v4 =	vsel vm5, v4, v5  }
0xf4: {  	s13 =	sadd.s32 $0xFFFFFF50, s9;
	vm6 =	veq.s32 v22, v1;
	v5 =	vmax.f32 v4, v19  }
0xf5: {  	v25 =	vld [tilespmem:s1+$0x450];
	v24 =	vmov s13;
	v4 =	vsel vm6, v4, v5  }
0xf6: {  	s13 =	sadd.s32 $0xFFFFFF40, s9;
	vm7 =	veq.s32 v24, v1;
	v5 =	vmax.f32 v4, v21  }
0xf7: {  	v27 =	vld [tilespmem:s1+$0x460];
	v26 =	vmov s13;
	v4 =	vsel vm7, v4, v5  }
0xf8: {  	s13 =	sadd.s32 $0xFFFFFF30, s9;
	vm8 =	veq.s32 v26, v1;
	v5 =	vmax.f32 v4, v23  }
0xf9: {  	v29 =	vld [tilespmem:s1+$0x470];
	v28 =	vmov s13;
	v4 =	vsel vm8, v4, v5  }
0xfa: {  	s13 =	sadd.s32 $0xFFFFFF20, s9;
	vm9 =	veq.s32 v28, v1;
	v5 =	vmax.f32 v4, v25  }
0xfb: {  	v31 =	vld [tilespmem:s1+$0x800];
	v30 =	vmov s13;
	v4 =	vsel vm9, v4, v5  }
0xfc: {  	s13 =	sadd.s32 $0xFFFFFF10, s9;
	vm10 =	veq.s32 v30, v1;
	v5 =	vmax.f32 v4, v27  }
0xfd: {  	v33 =	vld [tilespmem:s1+$0x810];
	v32 =	vmov s13;
	v4 =	vsel vm10, v4, v5  }
0xfe: {  	s13 =	sadd.s32 $0xFFFFFF00, s9;
	vm11 =	veq.s32 v32, v1;
	v5 =	vmax.f32 v4, v29  }
0xff: {  	v35 =	vld [tilespmem:s1+$0x820];
	v34 =	vmov s13;
	v4 =	vsel vm11, v4, v5  }
0x100: {  	s13 =	sadd.s32 $0xFFFFFEF0, s9;
	vm12 =	veq.s32 v34, v1;
	v5 =	vmax.f32 v4, v31  }
0x101: {  	v37 =	vld [tilespmem:s1+$0x830];
	v36 =	vmov s13;
	v4 =	vsel vm12, v4, v5  }
0x102: {  	s13 =	sadd.s32 $0xFFFFFEE0, s9;
	vm13 =	veq.s32 v36, v1;
	v5 =	vmax.f32 v4, v33  }
0x103: {  	v39 =	vld [tilespmem:s1+$0x840];
	v38 =	vmov s13;
	v4 =	vsel vm13, v4, v5  }
0x104: {  	s13 =	sadd.s32 $0xFFFFFED0, s9;
	vm14 =	veq.s32 v38, v1;
	v5 =	vmax.f32 v4, v35  }
0x105: {  	v41 =	vld [tilespmem:s1+$0x850];
	v40 =	vmov s13;
	v4 =	vsel vm14, v4, v5  }
0x106: {  	s13 =	sadd.s32 $0xFFFFFEC0, s9;
	vm15 =	veq.s32 v40, v1;
	v5 =	vmax.f32 v4, v37  }
0x107: {  	s10 =	sshll.u32 s10, $0x3;
	v43 =	vld [tilespmem:s1+$0x860];
	v42 =	vmov s13;
	v4 =	vsel vm15, v4, v5  }
0x108: {  	s10 =	sand.u32 $0xFFFFF000, s10;
	s13 =	sadd.s32 $0xFFFFFEB0, s9;
	vm4 =	veq.s32 v42, v1;
	v5 =	vmax.f32 v4, v39  }
0x109: {  	s10 =	sadd.s32 s10, s30;
	v45 =	vld [tilespmem:s1+$0x870];
	v44 =	vmov s13;
	v4 =	vsel vm4, v4, v5  }
0x10a: {  	s1 =	sadd.s32 s12, s10;
	s13 =	sadd.s32 $0xFFFFFEA0, s9;
	vm5 =	veq.s32 v44, v1;
	v5 =	vmax.f32 v4, v41  }
0x10b: {  	v47 =	vld [tilespmem:s1+$0xC00];
	v46 =	vmov s13;
	v4 =	vsel vm5, v4, v5  }
0x10c: {  	s13 =	sadd.s32 $0xFFFFFE90, s9;
	vm6 =	veq.s32 v46, v1;
	v5 =	vmax.f32 v4, v43  }
0x10d: {  	v49 =	vld [tilespmem:s1+$0xC10];
	v48 =	vmov s13;
	v4 =	vsel vm6, v4, v5  }
0x10e: {  	s12 =	sadd.s32 $0xFFFFFE80, s9;
	vm7 =	veq.s32 v48, v1;
	v5 =	vmax.f32 v4, v45  }
0x10f: {  	v50 =	vmov s12;
	v51 =	vld [tilespmem:s1+$0xC20];
	v4 =	vsel vm7, v4, v5  }
0x110: {  	s13 =	sadd.s32 $0xFFFFFE70, s9;
	vm8 =	veq.s32 v50, v1;
	v5 =	vmax.f32 v4, v47  }
0x111: {  	v53 =	vld [tilespmem:s1+$0xC30];
	v52 =	vmov s13;
	v4 =	vsel vm8, v4, v5  }
0x112: {  	s12 =	sadd.s32 $0xFFFFFE60, s9;
	vm9 =	veq.s32 v52, v1;
	v5 =	vmax.f32 v4, v49  }
0x113: {  	v55 =	vld [tilespmem:s1+$0xC40];
	v54 =	vmov s12;
	v4 =	vsel vm9, v4, v5  }
0x114: {  	s13 =	sadd.s32 $0xFFFFFE50, s9;
	vm10 =	veq.s32 v54, v1;
	v5 =	vmax.f32 v4, v51  }
0x115: {  	v57 =	vld [tilespmem:s1+$0xC50];
	v56 =	vmov s13;
	v4 =	vsel vm10, v4, v5  }
0x116: {  	s12 =	sadd.s32 $0xFFFFFE40, s9;
	vm11 =	veq.s32 v56, v1;
	v5 =	vmax.f32 v4, v53  }
0x117: {  	v59 =	vld [tilespmem:s1+$0xC60];
	v58 =	vmov s12;
	v4 =	vsel vm11, v4, v5  }
0x118: {  	s13 =	sadd.s32 $0xFFFFFE30, s9;
	vm12 =	veq.s32 v58, v1;
	v5 =	vmax.f32 v4, v55  }
0x119: {  	v61 =	vld [tilespmem:s1+$0xC70];
	v60 =	vmov s13;
	v4 =	vsel vm12, v4, v5  }
0x11a: {  	s12 =	sadd.s32 $0xFFFFFE20, s9;
	vm13 =	veq.s32 v60, v1;
	v5 =	vmax.f32 v4, v57  }
0x11b: {  	v62 =	vmov s12;
	v4 =	vsel vm13, v4, v5  }
.Ltmp8:
0x11c: {  	s13 =	sadd.s32 $0xFFFFFE10, s9;
	vm14 =	veq.s32 v62, v1;
	v5 =	vmax.f32 v4, v59;
	(pc) =	sbr.rel .LBB2_7-.Ltmp8, $4  }
0x11d: {  	v63 =	vmov s13;
	v4 =	vsel vm14, v4, v5  }
0x11e: {  	vm15 =	veq.s32 v63, v1;
	v5 =	vmax.f32 v4, v61  }
0x11f: {  	v4 =	vsel vm15, v4, v5  }
0x120: {  	[tilespmem:s8+$0x50] =	vst v4  }
.LBB2_10:
0x121: {  	_ =	sfence.sel $0x180000  }
0x122: {  	[bflag:$0x0] =	sbarrier.arrive $0xFFFF  }
0x123: {  	_ =	strace $0x90000047  }
0x124: {  	s0 =	stileid.u32;
	[bflag:$0x2] =	sbarrier.arrive $0xFFFF  }
0x125: {  	p0 =	sne.s32 s0, $0x0;
	s0 =	rddreg [dreg:$0x1]  }
0x126: {  	s0 =	sadd.s32 @!p0 $0x100000, s0  }
0x127: {  	[sflag:s0] =	ssyncadd.tile.s32 @!p0 $0x1;
	_ =	shalt  }
.Lfunc_end2:
_tile_overlayer_lowered:
.L_overlay_start_2:
0x128: {  	(tag) =	ssettag $0x2  }
0x129: {  	s0 =	rddreg [dreg:$0x0];
	s2 =	stileid.u32  }
0x12a: {  	s1 =	rddreg [dreg:$0x1];
	p0 =	sne.s32 s2, $0x0  }
0x12b: {  	s3 =	rddreg [dreg:$0x2];
	[bflag:$0x3] =	sbarrier.arrive $0xFFFF;
	s2 =	simm.s32 @!p0 $0x1C01  }
0x12c: {  	[timem:s3], [sflag:s2] =	dma.local @!p0 [hbm:s0], s1  }
0x12d: {  	s0 =	simm.s32 @!p0 $0x1  }
0x12e: {  	_ =	swait.ge @!p0 [sflag:s0], s1  }
0x12f: {  	s1 =	ssub.s32 @!p0 $0x0, s1;
	[sflag:s0] =	ssyncset.done @!p0 $0x0  }
0x130: {  	[sflag:s0] =	ssyncadd.s32 @!p0 s1  }
0x131: {  	[bflag:$0x3] =	sbarrier.arrive $0xFFFF  }
0x132: {  	_ =	shalt  }

</sc_bundles>
